<compile_context>
chip_gen: v7x
topology: tpu7x:2x2x1
jax: 0.10.2.dev20260603
libtpu: 0.0.44.dev20260713+nightly
codegen_flags: <defaults>
</compile_context>

<pallas_src>
import math

import jax
import jax.numpy as jnp
from jax import lax
from jax.experimental import pallas as pl
from jax.experimental.pallas import tpu as pltpu
from jax.experimental.pallas import tpu_sc as plsc

N = 10000
E = 320000
F = 128
H = 4
C = 32
D = H * C

NC = 2
NS = 16
NW = NC * NS
E_PER_W = E // NW
CHUNK = 80
NCHUNK = E_PER_W // CHUNK
NPAD = 10240
ROWS_PER_TILE = NPAD // NS
SSROWS = NPAD * H // D

_RS32 = 1.0 / math.sqrt(C)

_SC_PARAMS = pltpu.CompilerParams(needs_layout_passes=False)


def _proj_body(x_ref, wq_ref, wk_ref, wv_ref, ws_ref, b_ref,
               q_ref, k_ref, v_ref, s_ref):
    xb = x_ref[...]
    b = b_ref[...]
    q_ref[...] = jnp.dot(xb, wq_ref[...], preferred_element_type=jnp.float32) + b[0:1]
    k_ref[...] = jnp.dot(xb, wk_ref[...], preferred_element_type=jnp.float32) + b[1:2]
    v_ref[...] = jnp.dot(xb, wv_ref[...], preferred_element_type=jnp.float32) + b[2:3]
    s_ref[...] = jnp.dot(xb, ws_ref[...], preferred_element_type=jnp.float32) + b[3:4]


def _projections(x, wqt, wkt, wvt, wst, bstack):
    blk = 400
    grid = N // blk
    wspec = pl.BlockSpec((F, D), lambda i: (0, 0))
    return pl.pallas_call(
        _proj_body,
        grid=(grid,),
        in_specs=[
            pl.BlockSpec((blk, F), lambda i: (i, 0)),
            wspec, wspec, wspec, wspec,
            pl.BlockSpec((4, D), lambda i: (0, 0)),
        ],
        out_specs=[pl.BlockSpec((blk, D), lambda i: (i, 0))] * 4,
        out_shape=[jax.ShapeDtypeStruct((N, D), jnp.float32)] * 4,
    )(x, wqt, wkt, wvt, wst, bstack)


def _edge_body(q_hbm, k_hbm, v_hbm, src_hbm, dst_hbm, a0_hbm, a1_hbm, wet_hbm,
               zero_hbm, part_hbm, w_hbm,
               acc_sh, qb, kb, vb, msgb, wqb, srcb, dstb, a0b, a1b, wetb, sem):
    c = lax.axis_index("c")
    s = lax.axis_index("s")
    wid = c * NS + s
    ebase = wid * E_PER_W
    rbase = s * ROWS_PER_TILE

    pltpu.sync_copy(zero_hbm.at[pl.ds(rbase, ROWS_PER_TILE)],
                    acc_sh.at[pl.ds(rbase, ROWS_PER_TILE)])
    pltpu.sync_copy(wet_hbm, wetb)
    plsc.subcore_barrier()

    wet0 = [wetb[0, pl.ds(16 * l, 16)] for l in range(8)]
    wet1 = [wetb[1, pl.ds(16 * l, 16)] for l in range(8)]
    lane = lax.iota(jnp.int32, 16)
    lane0 = lane < 1

    def chunk_body(j, _):
        off = ebase + j * CHUNK
        pltpu.sync_copy(src_hbm.at[pl.ds(off, CHUNK)], srcb)
        pltpu.sync_copy(dst_hbm.at[pl.ds(off, CHUNK)], dstb)
        pltpu.sync_copy(a0_hbm.at[pl.ds(off, CHUNK)], a0b)
        pltpu.sync_copy(a1_hbm.at[pl.ds(off, CHUNK)], a1b)
        pltpu.async_copy(q_hbm.at[dstb], qb, sem).wait()
        pltpu.async_copy(k_hbm.at[srcb], kb, sem).wait()
        pltpu.async_copy(v_hbm.at[srcb], vb, sem).wait()

        @plsc.parallel_loop(0, CHUNK, unroll=8)
        def edge_body(i):
            ibc = jnp.full((16,), i, dtype=jnp.int32)
            a0 = plsc.load_gather(a0b, [ibc])
            a1 = plsc.load_gather(a1b, [ibc])
            ev = [a0 * wet0[l] + a1 * wet1[l] for l in range(8)]
            pr = [qb[i, pl.ds(16 * l, 16)] * (kb[i, pl.ds(16 * l, 16)] + ev[l])
                  for l in range(8)]
            wb = []
            for h in range(H):
                sh = jnp.sum(pr[2 * h] + pr[2 * h + 1]) * _RS32
                whv = jnp.exp(jnp.full((16,), sh, dtype=jnp.float32))
                wb.append(whv)
                plsc.store_scatter(wqb, [ibc * H + h], whv, mask=lane0)
            for l in range(8):
                msgb[i, pl.ds(16 * l, 16)] = (vb[i, pl.ds(16 * l, 16)] + ev[l]) * wb[l // 2]
        pltpu.sync_copy(msgb, acc_sh.at[dstb], add=True)
        pltpu.sync_copy(wqb, w_hbm.at[pl.ds(off * H, CHUNK * H)])
        return 0

    lax.fori_loop(0, NCHUNK, chunk_body, 0)
    plsc.subcore_barrier()
    pltpu.sync_copy(acc_sh.at[pl.ds(rbase, ROWS_PER_TILE)],
                    part_hbm.at[c, pl.ds(rbase, ROWS_PER_TILE)])


def _edge_pass(q, k, v, src, dst, a0, a1, wet, zeros):
    mesh = plsc.VectorSubcoreMesh(core_axis_name="c", subcore_axis_name="s")
    f = pl.kernel(
        _edge_body,
        mesh=mesh,
        compiler_params=_SC_PARAMS,
        out_type=(
            jax.ShapeDtypeStruct((NC, NPAD, D), jnp.float32),
            jax.ShapeDtypeStruct((H * E,), jnp.float32),
        ),
        scratch_types=[
            pltpu.VMEM_SHARED((NPAD, D), jnp.float32),
            pltpu.VMEM((CHUNK, D), jnp.float32),
            pltpu.VMEM((CHUNK, D), jnp.float32),
            pltpu.VMEM((CHUNK, D), jnp.float32),
            pltpu.VMEM((CHUNK, D), jnp.float32),
            pltpu.VMEM((H * CHUNK,), jnp.float32),
            pltpu.VMEM((CHUNK,), jnp.int32),
            pltpu.VMEM((CHUNK,), jnp.int32),
            pltpu.VMEM((CHUNK,), jnp.float32),
            pltpu.VMEM((CHUNK,), jnp.float32),
            pltpu.VMEM((2, D), jnp.float32),
            pltpu.SemaphoreType.DMA,
        ],
    )
    return f(q, k, v, src, dst, a0, a1, wet, zeros)


def _ssum_body(w_hbm, dst_hbm, zero_hbm, out_hbm, ssumb, wcb, dstb):
    c = lax.axis_index("c")
    s = lax.axis_index("s")
    wid = c * NS + s
    ebase = wid * E_PER_W

    pltpu.sync_copy(zero_hbm.at[pl.ds(0, SSROWS)], ssumb)
    lane = lax.iota(jnp.int32, 16)
    lane4 = lane & 3
    m4 = lane < 4

    def chunk_body(j, _):
        off = ebase + j * CHUNK
        pltpu.sync_copy(dst_hbm.at[pl.ds(off, CHUNK)], dstb)
        pltpu.sync_copy(w_hbm.at[pl.ds(off * H, CHUNK * H)], wcb)

        @plsc.parallel_loop(0, CHUNK, unroll=8)
        def edge_body(i):
            ibc = jnp.full((16,), i, dtype=jnp.int32)
            d = plsc.load_gather(dstb, [ibc])
            wrep = plsc.load_gather(wcb, [ibc * H + lane4])
            flat = d * H + lane4
            plsc.addupdate_scatter(ssumb, [flat >> 7, flat & 127], wrep, mask=m4)

        return 0

    lax.fori_loop(0, NCHUNK, chunk_body, 0)
    pltpu.sync_copy(ssumb, out_hbm.at[wid])


def _ssum_pass(w, dst, zeros):
    mesh = plsc.VectorSubcoreMesh(core_axis_name="c", subcore_axis_name="s")
    f = pl.kernel(
        _ssum_body,
        mesh=mesh,
        compiler_params=_SC_PARAMS,
        out_type=jax.ShapeDtypeStruct((NW, SSROWS, D), jnp.float32),
        scratch_types=[
            pltpu.VMEM((SSROWS, D), jnp.float32),
            pltpu.VMEM((H * CHUNK,), jnp.float32),
            pltpu.VMEM((CHUNK,), jnp.int32),
        ],
    )
    return f(w, dst, zeros)


def _combine_body(p_ref, p2_ref, s_ref, out_ref, stats_ref, acc2):
    i = pl.program_id(0)
    p = p_ref[...]
    accs = p[0] + p[1]
    ws = jnp.sum(p2_ref[...], axis=0)
    blk = ws.shape[0]
    denom = jnp.reshape(jnp.broadcast_to(ws[:, :, None], (blk, H, C)), (blk, D))
    op = accs / (denom + 1e-16) + s_ref[...]
    out_ref[...] = op

    @pl.when(i == 0)
    def _():
        acc2[...] = jnp.zeros_like(acc2)

    acc2[0, :] += jnp.sum(op, axis=0)
    acc2[1, :] += jnp.sum(op * op, axis=0)

    @pl.when(i == pl.num_programs(0) - 1)
    def _():
        stats_ref[...] = acc2[...]


def _combine(parts, parts2, sproj):
    blk = 400
    grid = N // blk
    return pl.pallas_call(
        _combine_body,
        grid=(grid,),
        in_specs=[
            pl.BlockSpec((NC, blk, D), lambda i: (0, i, 0)),
            pl.BlockSpec((NW, blk, H), lambda i: (0, i, 0)),
            pl.BlockSpec((blk, D), lambda i: (i, 0)),
        ],
        out_specs=[
            pl.BlockSpec((blk, D), lambda i: (i, 0)),
            pl.BlockSpec((2, D), lambda i: (0, 0)),
        ],
        out_shape=[
            jax.ShapeDtypeStruct((N, D), jnp.float32),
            jax.ShapeDtypeStruct((2, D), jnp.float32),
        ],
        scratch_shapes=[pltpu.VMEM((2, D), jnp.float32)],
    )(parts, parts2, sproj)


def _bn_body(op_ref, stats_ref, g_ref, b_ref, y_ref):
    st = stats_ref[...]
    mu = st[0:1, :] * (1.0 / N)
    var = st[1:2, :] * (1.0 / N) - mu * mu
    inv = lax.rsqrt(var + 1e-5)
    y = (op_ref[...] - mu) * (inv * g_ref[...]) + b_ref[...]
    y_ref[...] = jnp.where(y > 0, y, 0.01 * y)


def _batchnorm(op, stats, gamma, beta):
    blk = 400
    grid = N // blk
    return pl.pallas_call(
        _bn_body,
        grid=(grid,),
        in_specs=[
            pl.BlockSpec((blk, D), lambda i: (i, 0)),
            pl.BlockSpec((2, D), lambda i: (0, 0)),
            pl.BlockSpec((1, D), lambda i: (0, 0)),
            pl.BlockSpec((1, D), lambda i: (0, 0)),
        ],
        out_specs=pl.BlockSpec((blk, D), lambda i: (i, 0)),
        out_shape=jax.ShapeDtypeStruct((N, D), jnp.float32),
    )(op, stats, gamma, beta)


def kernel(x, edge_idx, edge_attr, Wq, bq, Wk, bk, Wv, bv, We, Ws, bs, gamma, beta):
    src = edge_idx[0].astype(jnp.int32)
    dst = edge_idx[1].astype(jnp.int32)
    bstack = jnp.stack([bq, bk, bv, bs])
    q, k, v, sproj = _projections(x, Wq.T, Wk.T, Wv.T, Ws.T, bstack)
    wet = We.T
    a0 = edge_attr[:, 0]
    a1 = edge_attr[:, 1]
    zeros = jnp.zeros((NPAD, D), jnp.float32)
    parts, w = _edge_pass(q, k, v, src, dst, a0, a1, wet, zeros)
    parts2 = _ssum_pass(w, dst, zeros).reshape(NW, NPAD, H)
    op, stats = _combine(parts[:, :N], parts2[:, :N], sproj)
    return _batchnorm(op, stats, gamma.reshape(1, D), beta.reshape(1, D))

# --- scband reference (transcript-rebuilt; emitter-appended) ---
"""Pipeline reference for scband-transformer-based-layer-86852828659816 (READ-ONLY COPY).

The authoritative reference and input builder live on the scoring server;
editing this copy changes nothing except your own understanding.
"""

import jax, jax.numpy as jnp
import numpy as np

N = 10000
E = 320000
F = 128
H = 4
C = 32
D = H * C
EDGE_DIM = 2


def setup_inputs(seed: int = 0) -> dict:
    key = jax.random.key(seed)
    ks = jax.random.split(key, 12)
    x = jax.random.normal(ks[0], (N, F), dtype=jnp.float32)
    edge_idx = jax.random.randint(ks[1], (2, E), 0, N).astype(jnp.int64)
    edge_attr = jax.random.normal(ks[2], (E, EDGE_DIM), dtype=jnp.float32)
    s_in = 1.0 / np.sqrt(F)
    s_e = 1.0 / np.sqrt(EDGE_DIM)
    Wq = jax.random.normal(ks[3], (D, F), dtype=jnp.float32) * s_in
    bq = jnp.zeros((D,), dtype=jnp.float32)
    Wk = jax.random.normal(ks[4], (D, F), dtype=jnp.float32) * s_in
    bk = jnp.zeros((D,), dtype=jnp.float32)
    Wv = jax.random.normal(ks[5], (D, F), dtype=jnp.float32) * s_in
    bv = jnp.zeros((D,), dtype=jnp.float32)
    We = jax.random.normal(ks[6], (D, EDGE_DIM), dtype=jnp.float32) * s_e
    Ws = jax.random.normal(ks[7], (D, F), dtype=jnp.float32) * s_in
    bs = jnp.zeros((D,), dtype=jnp.float32)
    gamma = jnp.ones((D,), dtype=jnp.float32)
    beta = jnp.zeros((D,), dtype=jnp.float32)
    return {"x": x, "edge_idx": edge_idx, "edge_attr": edge_attr,
            "Wq": Wq, "bq": bq, "Wk": Wk, "bk": bk, "Wv": Wv, "bv": bv,
            "We": We, "Ws": Ws, "bs": bs, "gamma": gamma, "beta": beta}


def reference(x, edge_idx, edge_attr, Wq, bq, Wk, bk, Wv, bv, We, Ws, bs, gamma, beta):
    src = edge_idx[0]
    dst = edge_idx[1]
    # TransformerConv (PyG): linear projections
    q = (x @ Wq.T + bq).reshape(N, H, C)
    k = (x @ Wk.T + bk).reshape(N, H, C)
    v = (x @ Wv.T + bv).reshape(N, H, C)
    e = (edge_attr @ We.T).reshape(E, H, C)
    # message: key_j = key[src] + lin_edge(edge_attr)
    kj = k[src] + e
    alpha = jnp.sum(q[dst] * kj, axis=-1) / np.sqrt(C)  # [E, H]
    # softmax over incoming edges per destination node
    m = jax.ops.segment_max(alpha, dst, num_segments=N)  # [N, H]
    alpha = jnp.exp(alpha - m[dst])
    ssum = jax.ops.segment_sum(alpha, dst, num_segments=N)
    alpha = alpha / (ssum[dst] + 1e-16)
    # (dropout p=0.5 omitted: eval / deterministic reference)
    msg = (v[src] + e) * alpha[..., None]  # [E, H, C]
    out = jax.ops.segment_sum(msg, dst, num_segments=N).reshape(N, D)
    # root/skip connection (concat=True, beta=False)
    out = out + x @ Ws.T + bs
    # BatchNorm1d (training-mode batch statistics, eps=1e-5)
    mu = jnp.mean(out, axis=0)
    var = jnp.mean((out - mu) ** 2, axis=0)
    y = gamma * (out - mu) / jnp.sqrt(var + 1e-5) + beta
    # LeakyReLU(0.01)
    return jnp.where(y > 0, y, 0.01 * y)

if __name__ == "__main__":
    import jax
    _d = setup_inputs()
    print(jax.jit(kernel)(*tuple(_d.values())))

</pallas_src>

<mosaic_0001>
#map = affine_map<(d0, d1) -> (0)>
#map1 = affine_map<(d0, d1) -> (0, 0)>
#map2 = affine_map<(d0, d1) -> (0, 0, 0)>
module attributes {stable_mosaic.version = 14 : i64} {
  func.func @_ssum_body(%arg0: i32, %arg1: i32, %arg2: memref<1280000xf32, #tpu.memory_space<hbm>>, %arg3: memref<320000xi32, #tpu.memory_space<hbm>>, %arg4: memref<10240x128xf32, #tpu.memory_space<hbm>>, %arg5: memref<32x320x128xf32, #tpu.memory_space<hbm>>, %arg6: memref<320x128xf32, #tpu.memory_space<vmem>>, %arg7: memref<320xf32, #tpu.memory_space<vmem>>, %arg8: memref<80xi32, #tpu.memory_space<vmem>>) attributes {dimension_semantics = [#tpu.dimension_semantics<core_parallel>, #tpu.dimension_semantics<subcore_parallel>], iteration_bounds = array<i64: 2, 16>, scalar_prefetch = 0 : i64, scratch_operands = 3 : i64, tpu.core_type = #tpu.core_type<sc_vector_subcore>, window_params = [{transform_indices = #map}, {transform_indices = #map}, {transform_indices = #map1}, {transform_indices = #map2}]} {
    %mul3A = arith.constant 16 : i32
    %mul3A_0 = arith.muli %arg0, %mul3A : i32
    %add3A = arith.addi %mul3A_0, %arg1 : i32
    %mul3A_1 = arith.constant 10000 : i32
    %mul3A_2 = arith.muli %add3A, %mul3A_1 : i32
    "tpu.region"() ({
      %run_scoped3A = tpu.sem_alloc : memref<!tpu.dma_semaphore, #tpu.memory_space<semaphore_mem>>
      %dma_start3A = arith.constant 0 : i32
      %dma_start3A_13 = arith.constant 0 : i32
      %dma_start3A_14 = tpu.memref_slice %arg4[%dma_start3A, %dma_start3A_13] : memref<10240x128xf32, #tpu.memory_space<hbm>> -> memref<320x128xf32, #tpu.memory_space<hbm>>
      %dma_start3A_15 = arith.constant 0 : i32
      %dma_start3A_16 = arith.constant 0 : i32
      %dma_start3A_17 = tpu.memref_slice %arg4[%dma_start3A_15, %dma_start3A_16] : memref<10240x128xf32, #tpu.memory_space<hbm>> -> memref<320x128xf32, #tpu.memory_space<hbm>>
      tpu.enqueue_dma source(%dma_start3A_17 : memref<320x128xf32, #tpu.memory_space<hbm>>) target(%arg6 : memref<320x128xf32, #tpu.memory_space<vmem>>) target_semaphore(%run_scoped3A : memref<!tpu.dma_semaphore, #tpu.memory_space<semaphore_mem>>)
      %dma_wait3A = arith.constant 0 : i32
      %dma_wait3A_18 = arith.constant 0 : i32
      %dma_wait3A_19 = tpu.memref_slice %arg4[%dma_wait3A, %dma_wait3A_18] : memref<10240x128xf32, #tpu.memory_space<hbm>> -> memref<320x128xf32, #tpu.memory_space<hbm>>
      %dma_wait3A_20 = arith.constant 0 : i32
      %dma_wait3A_21 = arith.constant 0 : i32
      %dma_wait3A_22 = tpu.memref_slice %arg4[%dma_wait3A_20, %dma_wait3A_21] : memref<10240x128xf32, #tpu.memory_space<hbm>> -> memref<320x128xf32, #tpu.memory_space<hbm>>
      tpu.wait_dma2 semaphore(%run_scoped3A : memref<!tpu.dma_semaphore, #tpu.memory_space<semaphore_mem>>) src(%dma_wait3A_22 : memref<320x128xf32, #tpu.memory_space<hbm>>) dst(%arg6 : memref<320x128xf32, #tpu.memory_space<vmem>>)
      tpu.yield
    }) : () -> ()
    %iota3A = tpu.iota {dimensions = array<i32: 0>} : vector<16xi32>
    %and3A = arith.constant 3 : i32
    %and3A_3 = vector.broadcast %and3A : i32 to vector<16xi32>
    %and3A_4 = arith.andi %iota3A, %and3A_3 : vector<16xi32>
    %lt3A = arith.constant 4 : i32
    %lt3A_5 = vector.broadcast %lt3A : i32 to vector<16xi32>
    %lt3A_6 = arith.cmpi slt, %iota3A, %lt3A_5 : vector<16xi32>
    %scan3A = arith.constant 0 : i32
    %scan3A_7 = arith.constant 0 : i32
    %scan3A_8 = arith.constant 125 : i32
    %scan3A_9 = arith.addi %scan3A_7, %scan3A_8 : i32
    %scan3A_10 = arith.constant 1 : i32
    %scan3A_11 = scf.for %scan3A_13 = %scan3A_7 to %scan3A_9 step %scan3A_10 iter_args(%scan3A_14 = %scan3A) -> (i32)  : i32 {
      %mul3A_15 = arith.constant 80 : i32
      %mul3A_16 = arith.muli %scan3A_13, %mul3A_15 : i32
      %add3A_17 = arith.addi %mul3A_2, %mul3A_16 : i32
      "tpu.region"() ({
        %run_scoped3A = tpu.sem_alloc : memref<!tpu.dma_semaphore, #tpu.memory_space<semaphore_mem>>
        %dma_start3A = tpu.memref_slice %arg3[%add3A_17] : memref<320000xi32, #tpu.memory_space<hbm>> -> memref<80xi32, #tpu.memory_space<hbm>>
        %dma_start3A_23 = tpu.memref_slice %arg3[%add3A_17] : memref<320000xi32, #tpu.memory_space<hbm>> -> memref<80xi32, #tpu.memory_space<hbm>>
        tpu.enqueue_dma source(%dma_start3A_23 : memref<80xi32, #tpu.memory_space<hbm>>) target(%arg8 : memref<80xi32, #tpu.memory_space<vmem>>) target_semaphore(%run_scoped3A : memref<!tpu.dma_semaphore, #tpu.memory_space<semaphore_mem>>)
        %dma_wait3A = tpu.memref_slice %arg3[%add3A_17] : memref<320000xi32, #tpu.memory_space<hbm>> -> memref<80xi32, #tpu.memory_space<hbm>>
        %dma_wait3A_24 = tpu.memref_slice %arg3[%add3A_17] : memref<320000xi32, #tpu.memory_space<hbm>> -> memref<80xi32, #tpu.memory_space<hbm>>
        tpu.wait_dma2 semaphore(%run_scoped3A : memref<!tpu.dma_semaphore, #tpu.memory_space<semaphore_mem>>) src(%dma_wait3A_24 : memref<80xi32, #tpu.memory_space<hbm>>) dst(%arg8 : memref<80xi32, #tpu.memory_space<vmem>>)
        tpu.yield
      }) : () -> ()
      %mul3A_18 = arith.constant 4 : i32
      %mul3A_19 = arith.muli %add3A_17, %mul3A_18 : i32
      "tpu.region"() ({
        %run_scoped3A = tpu.sem_alloc : memref<!tpu.dma_semaphore, #tpu.memory_space<semaphore_mem>>
        %dma_start3A = tpu.memref_slice %arg2[%mul3A_19] : memref<1280000xf32, #tpu.memory_space<hbm>> -> memref<320xf32, #tpu.memory_space<hbm>>
        %dma_start3A_23 = tpu.memref_slice %arg2[%mul3A_19] : memref<1280000xf32, #tpu.memory_space<hbm>> -> memref<320xf32, #tpu.memory_space<hbm>>
        tpu.enqueue_dma source(%dma_start3A_23 : memref<320xf32, #tpu.memory_space<hbm>>) target(%arg7 : memref<320xf32, #tpu.memory_space<vmem>>) target_semaphore(%run_scoped3A : memref<!tpu.dma_semaphore, #tpu.memory_space<semaphore_mem>>)
        %dma_wait3A = tpu.memref_slice %arg2[%mul3A_19] : memref<1280000xf32, #tpu.memory_space<hbm>> -> memref<320xf32, #tpu.memory_space<hbm>>
        %dma_wait3A_24 = tpu.memref_slice %arg2[%mul3A_19] : memref<1280000xf32, #tpu.memory_space<hbm>> -> memref<320xf32, #tpu.memory_space<hbm>>
        tpu.wait_dma2 semaphore(%run_scoped3A : memref<!tpu.dma_semaphore, #tpu.memory_space<semaphore_mem>>) src(%dma_wait3A_24 : memref<320xf32, #tpu.memory_space<hbm>>) dst(%arg7 : memref<320xf32, #tpu.memory_space<vmem>>)
        tpu.yield
      }) : () -> ()
      %parallel_loop3A = arith.constant 0 : i32
      %parallel_loop3A_20 = arith.constant 80 : i32
      %parallel_loop3A_21 = arith.constant 1 : i32
      scf.for %parallel_loop3A_23 = %parallel_loop3A to %parallel_loop3A_20 step %parallel_loop3A_21  : i32 {
        %parallel_loop3A_24 = vector.broadcast %parallel_loop3A_23 : i32 to vector<16xi32>
        %parallel_loop3A_25 = tpu.vector_load_idx %arg8[%parallel_loop3A_24] : memref<80xi32, #tpu.memory_space<vmem>>[vector<16xi32>], vector<16xi32>,
        %parallel_loop3A_26 = arith.constant 4 : i32
        %parallel_loop3A_27 = vector.broadcast %parallel_loop3A_26 : i32 to vector<16xi32>
        %parallel_loop3A_28 = arith.muli %parallel_loop3A_24, %parallel_loop3A_27 : vector<16xi32>
        %parallel_loop3A_29 = arith.addi %parallel_loop3A_28, %and3A_4 : vector<16xi32>
        %parallel_loop3A_30 = tpu.vector_load_idx %arg7[%parallel_loop3A_29] : memref<320xf32, #tpu.memory_space<vmem>>[vector<16xi32>], vector<16xf32>,
        %parallel_loop3A_31 = arith.constant 4 : i32
        %parallel_loop3A_32 = vector.broadcast %parallel_loop3A_31 : i32 to vector<16xi32>
        %parallel_loop3A_33 = arith.muli %parallel_loop3A_25, %parallel_loop3A_32 : vector<16xi32>
        %parallel_loop3A_34 = arith.addi %parallel_loop3A_33, %and3A_4 : vector<16xi32>
        %parallel_loop3A_35 = arith.constant 7 : i32
        %parallel_loop3A_36 = vector.broadcast %parallel_loop3A_35 : i32 to vector<16xi32>
        %parallel_loop3A_37 = arith.shrsi %parallel_loop3A_34, %parallel_loop3A_36 : vector<16xi32>
        %parallel_loop3A_38 = arith.constant 127 : i32
        %parallel_loop3A_39 = vector.broadcast %parallel_loop3A_38 : i32 to vector<16xi32>
        %parallel_loop3A_40 = arith.andi %parallel_loop3A_34, %parallel_loop3A_39 : vector<16xi32>
        tpu.vector_store_idx %arg6[%parallel_loop3A_37, %parallel_loop3A_40], %parallel_loop3A_30 masked %lt3A_6 {add = true} : memref<320x128xf32, #tpu.memory_space<vmem>>[vector<16xi32>, vector<16xi32>], vector<16xf32>, vector<16xi1>
      } {sc.loop_unroll_factor = 8 : i64, sc.parallel_access}
      %scan3A_22 = arith.constant 0 : i32
      scf.yield %scan3A_22 : i32
    }
    %scan3A_12 = arith.constant 125 : i32
    "tpu.region"() ({
      %run_scoped3A = tpu.sem_alloc : memref<!tpu.dma_semaphore, #tpu.memory_space<semaphore_mem>>
      %dma_start3A = arith.constant 0 : i32
      %dma_start3A_13 = arith.constant 0 : i32
      %dma_start3A_14 = tpu.memref_slice %arg5[%add3A, %dma_start3A, %dma_start3A_13] : memref<32x320x128xf32, #tpu.memory_space<hbm>> -> memref<1x320x128xf32, #tpu.memory_space<hbm>>
      %dma_start3A_15 = tpu.memref_squeeze %dma_start3A_14 : memref<1x320x128xf32, #tpu.memory_space<hbm>> -> memref<320x128xf32, #tpu.memory_space<hbm>>
      %dma_start3A_16 = arith.constant 0 : i32
      %dma_start3A_17 = arith.constant 0 : i32
      %dma_start3A_18 = tpu.memref_slice %arg5[%add3A, %dma_start3A_16, %dma_start3A_17] : memref<32x320x128xf32, #tpu.memory_space<hbm>> -> memref<1x320x128xf32, #tpu.memory_space<hbm>>
      %dma_start3A_19 = tpu.memref_squeeze %dma_start3A_18 : memref<1x320x128xf32, #tpu.memory_space<hbm>> -> memref<320x128xf32, #tpu.memory_space<hbm>>
      tpu.enqueue_dma source(%arg6 : memref<320x128xf32, #tpu.memory_space<vmem>>) target(%dma_start3A_19 : memref<320x128xf32, #tpu.memory_space<hbm>>) target_semaphore(%run_scoped3A : memref<!tpu.dma_semaphore, #tpu.memory_space<semaphore_mem>>)
      %dma_wait3A = arith.constant 0 : i32
      %dma_wait3A_20 = arith.constant 0 : i32
      %dma_wait3A_21 = tpu.memref_slice %arg5[%add3A, %dma_wait3A, %dma_wait3A_20] : memref<32x320x128xf32, #tpu.memory_space<hbm>> -> memref<1x320x128xf32, #tpu.memory_space<hbm>>
      %dma_wait3A_22 = tpu.memref_squeeze %dma_wait3A_21 : memref<1x320x128xf32, #tpu.memory_space<hbm>> -> memref<320x128xf32, #tpu.memory_space<hbm>>
      %dma_wait3A_23 = arith.constant 0 : i32
      %dma_wait3A_24 = arith.constant 0 : i32
      %dma_wait3A_25 = tpu.memref_slice %arg5[%add3A, %dma_wait3A_23, %dma_wait3A_24] : memref<32x320x128xf32, #tpu.memory_space<hbm>> -> memref<1x320x128xf32, #tpu.memory_space<hbm>>
      %dma_wait3A_26 = tpu.memref_squeeze %dma_wait3A_25 : memref<1x320x128xf32, #tpu.memory_space<hbm>> -> memref<320x128xf32, #tpu.memory_space<hbm>>
      tpu.wait_dma2 semaphore(%run_scoped3A : memref<!tpu.dma_semaphore, #tpu.memory_space<semaphore_mem>>) src(%arg6 : memref<320x128xf32, #tpu.memory_space<vmem>>) dst(%dma_wait3A_26 : memref<320x128xf32, #tpu.memory_space<hbm>>)
      tpu.yield
    }) : () -> ()
    return
  }
}

#map = affine_map<(d0, d1) -> (0, 0)>
#map1 = affine_map<(d0, d1) -> (0)>
#map2 = affine_map<(d0, d1) -> (0, 0, 0)>
module attributes {stable_mosaic.version = 14 : i64} {
  func.func @_edge_body(%arg0: i32, %arg1: i32, %arg2: memref<10000x128xf32, #tpu.memory_space<hbm>>, %arg3: memref<10000x128xf32, #tpu.memory_space<hbm>>, %arg4: memref<10000x128xf32, #tpu.memory_space<hbm>>, %arg5: memref<320000xi32, #tpu.memory_space<hbm>>, %arg6: memref<320000xi32, #tpu.memory_space<hbm>>, %arg7: memref<320000xf32, #tpu.memory_space<hbm>>, %arg8: memref<320000xf32, #tpu.memory_space<hbm>>, %arg9: memref<2x128xf32, #tpu.memory_space<hbm>>, %arg10: memref<10240x128xf32, #tpu.memory_space<hbm>>, %arg11: memref<2x10240x128xf32, #tpu.memory_space<hbm>>, %arg12: memref<1280000xf32, #tpu.memory_space<hbm>>, %arg13: memref<10240x128xf32, #tpu.memory_space<vmem_shared>>, %arg14: memref<80x128xf32, #tpu.memory_space<vmem>>, %arg15: memref<80x128xf32, #tpu.memory_space<vmem>>, %arg16: memref<80x128xf32, #tpu.memory_space<vmem>>, %arg17: memref<80x128xf32, #tpu.memory_space<vmem>>, %arg18: memref<320xf32, #tpu.memory_space<vmem>>, %arg19: memref<80xi32, #tpu.memory_space<vmem>>, %arg20: memref<80xi32, #tpu.memory_space<vmem>>, %arg21: memref<80xf32, #tpu.memory_space<vmem>>, %arg22: memref<80xf32, #tpu.memory_space<vmem>>, %arg23: memref<2x128xf32, #tpu.memory_space<vmem>>, %arg24: memref<!tpu.dma_semaphore, #tpu.memory_space<semaphore_mem>>) attributes {dimension_semantics = [#tpu.dimension_semantics<core_parallel>, #tpu.dimension_semantics<subcore_parallel>], iteration_bounds = array<i64: 2, 16>, scalar_prefetch = 0 : i64, scratch_operands = 12 : i64, tpu.core_type = #tpu.core_type<sc_vector_subcore>, window_params = [{transform_indices = #map}, {transform_indices = #map}, {transform_indices = #map}, {transform_indices = #map1}, {transform_indices = #map1}, {transform_indices = #map1}, {transform_indices = #map1}, {transform_indices = #map}, {transform_indices = #map}, {transform_indices = #map2}, {transform_indices = #map1}]} {
    %mul3A = arith.constant 16 : i32
    %mul3A_0 = arith.muli %arg0, %mul3A : i32
    %add3A = arith.addi %mul3A_0, %arg1 : i32
    %mul3A_1 = arith.constant 10000 : i32
    %mul3A_2 = arith.muli %add3A, %mul3A_1 : i32
    %mul3A_3 = arith.constant 640 : i32
    %mul3A_4 = arith.muli %arg1, %mul3A_3 : i32
    "tpu.region"() ({
      %run_scoped3A = tpu.sem_alloc : memref<!tpu.dma_semaphore, #tpu.memory_space<semaphore_mem>>
      %dma_start3A = arith.constant 0 : i32
      %dma_start3A_77 = tpu.memref_slice %arg13[%mul3A_4, %dma_start3A] : memref<10240x128xf32, #tpu.memory_space<vmem_shared>> -> memref<640x128xf32, #tpu.memory_space<vmem_shared>>
      %dma_start3A_78 = arith.constant 0 : i32
      %dma_start3A_79 = tpu.memref_slice %arg10[%mul3A_4, %dma_start3A_78] : memref<10240x128xf32, #tpu.memory_space<hbm>> -> memref<640x128xf32, #tpu.memory_space<hbm>>
      tpu.enqueue_dma source(%dma_start3A_79 : memref<640x128xf32, #tpu.memory_space<hbm>>) target(%dma_start3A_77 : memref<640x128xf32, #tpu.memory_space<vmem_shared>>) target_semaphore(%run_scoped3A : memref<!tpu.dma_semaphore, #tpu.memory_space<semaphore_mem>>)
      %dma_wait3A = arith.constant 0 : i32
      %dma_wait3A_80 = tpu.memref_slice %arg13[%mul3A_4, %dma_wait3A] : memref<10240x128xf32, #tpu.memory_space<vmem_shared>> -> memref<640x128xf32, #tpu.memory_space<vmem_shared>>
      %dma_wait3A_81 = arith.constant 0 : i32
      %dma_wait3A_82 = tpu.memref_slice %arg10[%mul3A_4, %dma_wait3A_81] : memref<10240x128xf32, #tpu.memory_space<hbm>> -> memref<640x128xf32, #tpu.memory_space<hbm>>
      tpu.wait_dma2 semaphore(%run_scoped3A : memref<!tpu.dma_semaphore, #tpu.memory_space<semaphore_mem>>) src(%dma_wait3A_82 : memref<640x128xf32, #tpu.memory_space<hbm>>) dst(%dma_wait3A_80 : memref<640x128xf32, #tpu.memory_space<vmem_shared>>)
      tpu.yield
    }) : () -> ()
    "tpu.region"() ({
      %run_scoped3A = tpu.sem_alloc : memref<!tpu.dma_semaphore, #tpu.memory_space<semaphore_mem>>
      tpu.enqueue_dma source(%arg9 : memref<2x128xf32, #tpu.memory_space<hbm>>) target(%arg23 : memref<2x128xf32, #tpu.memory_space<vmem>>) target_semaphore(%run_scoped3A : memref<!tpu.dma_semaphore, #tpu.memory_space<semaphore_mem>>)
      tpu.wait_dma2 semaphore(%run_scoped3A : memref<!tpu.dma_semaphore, #tpu.memory_space<semaphore_mem>>) src(%arg9 : memref<2x128xf32, #tpu.memory_space<hbm>>) dst(%arg23 : memref<2x128xf32, #tpu.memory_space<vmem>>)
      tpu.yield
    }) : () -> ()
    %barrier3A = arith.constant 0 : index
    tpu.barrier barrier_id(%barrier3A)
    %get3A = arith.constant 0 : i32
    %get3A_5 = arith.index_cast %get3A : i32 to index
    %get3A_6 = arith.constant 0 : index
    %get3A_7 = tpu.vector_load %arg23[%get3A_5, %get3A_6] {strides = array<i32>} : memref<2x128xf32, #tpu.memory_space<vmem>>, vector<16xf32>,
    %get3A_8 = arith.constant 0 : i32
    %get3A_9 = arith.index_cast %get3A_8 : i32 to index
    %get3A_10 = arith.constant 16 : index
    %get3A_11 = tpu.vector_load %arg23[%get3A_9, %get3A_10] {strides = array<i32>} : memref<2x128xf32, #tpu.memory_space<vmem>>, vector<16xf32>,
    %get3A_12 = arith.constant 0 : i32
    %get3A_13 = arith.index_cast %get3A_12 : i32 to index
    %get3A_14 = arith.constant 32 : index
    %get3A_15 = tpu.vector_load %arg23[%get3A_13, %get3A_14] {strides = array<i32>} : memref<2x128xf32, #tpu.memory_space<vmem>>, vector<16xf32>,
    %get3A_16 = arith.constant 0 : i32
    %get3A_17 = arith.index_cast %get3A_16 : i32 to index
    %get3A_18 = arith.constant 48 : index
    %get3A_19 = tpu.vector_load %arg23[%get3A_17, %get3A_18] {strides = array<i32>} : memref<2x128xf32, #tpu.memory_space<vmem>>, vector<16xf32>,
    %get3A_20 = arith.constant 0 : i32
    %get3A_21 = arith.index_cast %get3A_20 : i32 to index
    %get3A_22 = arith.constant 64 : index
    %get3A_23 = tpu.vector_load %arg23[%get3A_21, %get3A_22] {strides = array<i32>} : memref<2x128xf32, #tpu.memory_space<vmem>>, vector<16xf32>,
    %get3A_24 = arith.constant 0 : i32
    %get3A_25 = arith.index_cast %get3A_24 : i32 to index
    %get3A_26 = arith.constant 80 : index
    %get3A_27 = tpu.vector_load %arg23[%get3A_25, %get3A_26] {strides = array<i32>} : memref<2x128xf32, #tpu.memory_space<vmem>>, vector<16xf32>,
    %get3A_28 = arith.constant 0 : i32
    %get3A_29 = arith.index_cast %get3A_28 : i32 to index
    %get3A_30 = arith.constant 96 : index
    %get3A_31 = tpu.vector_load %arg23[%get3A_29, %get3A_30] {strides = array<i32>} : memref<2x128xf32, #tpu.memory_space<vmem>>, vector<16xf32>,
    %get3A_32 = arith.constant 0 : i32
    %get3A_33 = arith.index_cast %get3A_32 : i32 to index
    %get3A_34 = arith.constant 112 : index
    %get3A_35 = tpu.vector_load %arg23[%get3A_33, %get3A_34] {strides = array<i32>} : memref<2x128xf32, #tpu.memory_space<vmem>>, vector<16xf32>,
    %get3A_36 = arith.constant 1 : i32
    %get3A_37 = arith.index_cast %get3A_36 : i32 to index
    %get3A_38 = arith.constant 0 : index
    %get3A_39 = tpu.vector_load %arg23[%get3A_37, %get3A_38] {strides = array<i32>} : memref<2x128xf32, #tpu.memory_space<vmem>>, vector<16xf32>,
    %get3A_40 = arith.constant 1 : i32
    %get3A_41 = arith.index_cast %get3A_40 : i32 to index
    %get3A_42 = arith.constant 16 : index
    %get3A_43 = tpu.vector_load %arg23[%get3A_41, %get3A_42] {strides = array<i32>} : memref<2x128xf32, #tpu.memory_space<vmem>>, vector<16xf32>,
    %get3A_44 = arith.constant 1 : i32
    %get3A_45 = arith.index_cast %get3A_44 : i32 to index
    %get3A_46 = arith.constant 32 : index
    %get3A_47 = tpu.vector_load %arg23[%get3A_45, %get3A_46] {strides = array<i32>} : memref<2x128xf32, #tpu.memory_space<vmem>>, vector<16xf32>,
    %get3A_48 = arith.constant 1 : i32
    %get3A_49 = arith.index_cast %get3A_48 : i32 to index
    %get3A_50 = arith.constant 48 : index
    %get3A_51 = tpu.vector_load %arg23[%get3A_49, %get3A_50] {strides = array<i32>} : memref<2x128xf32, #tpu.memory_space<vmem>>, vector<16xf32>,
    %get3A_52 = arith.constant 1 : i32
    %get3A_53 = arith.index_cast %get3A_52 : i32 to index
    %get3A_54 = arith.constant 64 : index
    %get3A_55 = tpu.vector_load %arg23[%get3A_53, %get3A_54] {strides = array<i32>} : memref<2x128xf32, #tpu.memory_space<vmem>>, vector<16xf32>,
    %get3A_56 = arith.constant 1 : i32
    %get3A_57 = arith.index_cast %get3A_56 : i32 to index
    %get3A_58 = arith.constant 80 : index
    %get3A_59 = tpu.vector_load %arg23[%get3A_57, %get3A_58] {strides = array<i32>} : memref<2x128xf32, #tpu.memory_space<vmem>>, vector<16xf32>,
    %get3A_60 = arith.constant 1 : i32
    %get3A_61 = arith.index_cast %get3A_60 : i32 to index
    %get3A_62 = arith.constant 96 : index
    %get3A_63 = tpu.vector_load %arg23[%get3A_61, %get3A_62] {strides = array<i32>} : memref<2x128xf32, #tpu.memory_space<vmem>>, vector<16xf32>,
    %get3A_64 = arith.constant 1 : i32
    %get3A_65 = arith.index_cast %get3A_64 : i32 to index
    %get3A_66 = arith.constant 112 : index
    %get3A_67 = tpu.vector_load %arg23[%get3A_65, %get3A_66] {strides = array<i32>} : memref<2x128xf32, #tpu.memory_space<vmem>>, vector<16xf32>,
    %iota3A = tpu.iota {dimensions = array<i32: 0>} : vector<16xi32>
    %lt3A = arith.constant 1 : i32
    %lt3A_68 = vector.broadcast %lt3A : i32 to vector<16xi32>
    %lt3A_69 = arith.cmpi slt, %iota3A, %lt3A_68 : vector<16xi32>
    %scan3A = arith.constant 0 : i32
    %scan3A_70 = arith.constant 0 : i32
    %scan3A_71 = arith.constant 125 : i32
    %scan3A_72 = arith.addi %scan3A_70, %scan3A_71 : i32
    %scan3A_73 = arith.constant 1 : i32
    %scan3A_74 = scf.for %scan3A_77 = %scan3A_70 to %scan3A_72 step %scan3A_73 iter_args(%scan3A_78 = %scan3A) -> (i32)  : i32 {
      %mul3A_79 = arith.constant 80 : i32
      %mul3A_80 = arith.muli %scan3A_77, %mul3A_79 : i32
      %add3A_81 = arith.addi %mul3A_2, %mul3A_80 : i32
      "tpu.region"() ({
        %run_scoped3A = tpu.sem_alloc : memref<!tpu.dma_semaphore, #tpu.memory_space<semaphore_mem>>
        %dma_start3A_103 = tpu.memref_slice %arg5[%add3A_81] : memref<320000xi32, #tpu.memory_space<hbm>> -> memref<80xi32, #tpu.memory_space<hbm>>
        %dma_start3A_104 = tpu.memref_slice %arg5[%add3A_81] : memref<320000xi32, #tpu.memory_space<hbm>> -> memref<80xi32, #tpu.memory_space<hbm>>
        tpu.enqueue_dma source(%dma_start3A_104 : memref<80xi32, #tpu.memory_space<hbm>>) target(%arg19 : memref<80xi32, #tpu.memory_space<vmem>>) target_semaphore(%run_scoped3A : memref<!tpu.dma_semaphore, #tpu.memory_space<semaphore_mem>>)
        %dma_wait3A_105 = tpu.memref_slice %arg5[%add3A_81] : memref<320000xi32, #tpu.memory_space<hbm>> -> memref<80xi32, #tpu.memory_space<hbm>>
        %dma_wait3A_106 = tpu.memref_slice %arg5[%add3A_81] : memref<320000xi32, #tpu.memory_space<hbm>> -> memref<80xi32, #tpu.memory_space<hbm>>
        tpu.wait_dma2 semaphore(%run_scoped3A : memref<!tpu.dma_semaphore, #tpu.memory_space<semaphore_mem>>) src(%dma_wait3A_106 : memref<80xi32, #tpu.memory_space<hbm>>) dst(%arg19 : memref<80xi32, #tpu.memory_space<vmem>>)
        tpu.yield
      }) : () -> ()
      "tpu.region"() ({
        %run_scoped3A = tpu.sem_alloc : memref<!tpu.dma_semaphore, #tpu.memory_space<semaphore_mem>>
        %dma_start3A_103 = tpu.memref_slice %arg6[%add3A_81] : memref<320000xi32, #tpu.memory_space<hbm>> -> memref<80xi32, #tpu.memory_space<hbm>>
        %dma_start3A_104 = tpu.memref_slice %arg6[%add3A_81] : memref<320000xi32, #tpu.memory_space<hbm>> -> memref<80xi32, #tpu.memory_space<hbm>>
        tpu.enqueue_dma source(%dma_start3A_104 : memref<80xi32, #tpu.memory_space<hbm>>) target(%arg20 : memref<80xi32, #tpu.memory_space<vmem>>) target_semaphore(%run_scoped3A : memref<!tpu.dma_semaphore, #tpu.memory_space<semaphore_mem>>)
        %dma_wait3A_105 = tpu.memref_slice %arg6[%add3A_81] : memref<320000xi32, #tpu.memory_space<hbm>> -> memref<80xi32, #tpu.memory_space<hbm>>
        %dma_wait3A_106 = tpu.memref_slice %arg6[%add3A_81] : memref<320000xi32, #tpu.memory_space<hbm>> -> memref<80xi32, #tpu.memory_space<hbm>>
        tpu.wait_dma2 semaphore(%run_scoped3A : memref<!tpu.dma_semaphore, #tpu.memory_space<semaphore_mem>>) src(%dma_wait3A_106 : memref<80xi32, #tpu.memory_space<hbm>>) dst(%arg20 : memref<80xi32, #tpu.memory_space<vmem>>)
        tpu.yield
      }) : () -> ()
      "tpu.region"() ({
        %run_scoped3A = tpu.sem_alloc : memref<!tpu.dma_semaphore, #tpu.memory_space<semaphore_mem>>
        %dma_start3A_103 = tpu.memref_slice %arg7[%add3A_81] : memref<320000xf32, #tpu.memory_space<hbm>> -> memref<80xf32, #tpu.memory_space<hbm>>
        %dma_start3A_104 = tpu.memref_slice %arg7[%add3A_81] : memref<320000xf32, #tpu.memory_space<hbm>> -> memref<80xf32, #tpu.memory_space<hbm>>
        tpu.enqueue_dma source(%dma_start3A_104 : memref<80xf32, #tpu.memory_space<hbm>>) target(%arg21 : memref<80xf32, #tpu.memory_space<vmem>>) target_semaphore(%run_scoped3A : memref<!tpu.dma_semaphore, #tpu.memory_space<semaphore_mem>>)
        %dma_wait3A_105 = tpu.memref_slice %arg7[%add3A_81] : memref<320000xf32, #tpu.memory_space<hbm>> -> memref<80xf32, #tpu.memory_space<hbm>>
        %dma_wait3A_106 = tpu.memref_slice %arg7[%add3A_81] : memref<320000xf32, #tpu.memory_space<hbm>> -> memref<80xf32, #tpu.memory_space<hbm>>
        tpu.wait_dma2 semaphore(%run_scoped3A : memref<!tpu.dma_semaphore, #tpu.memory_space<semaphore_mem>>) src(%dma_wait3A_106 : memref<80xf32, #tpu.memory_space<hbm>>) dst(%arg21 : memref<80xf32, #tpu.memory_space<vmem>>)
        tpu.yield
      }) : () -> ()
      "tpu.region"() ({
        %run_scoped3A = tpu.sem_alloc : memref<!tpu.dma_semaphore, #tpu.memory_space<semaphore_mem>>
        %dma_start3A_103 = tpu.memref_slice %arg8[%add3A_81] : memref<320000xf32, #tpu.memory_space<hbm>> -> memref<80xf32, #tpu.memory_space<hbm>>
        %dma_start3A_104 = tpu.memref_slice %arg8[%add3A_81] : memref<320000xf32, #tpu.memory_space<hbm>> -> memref<80xf32, #tpu.memory_space<hbm>>
        tpu.enqueue_dma source(%dma_start3A_104 : memref<80xf32, #tpu.memory_space<hbm>>) target(%arg22 : memref<80xf32, #tpu.memory_space<vmem>>) target_semaphore(%run_scoped3A : memref<!tpu.dma_semaphore, #tpu.memory_space<semaphore_mem>>)
        %dma_wait3A_105 = tpu.memref_slice %arg8[%add3A_81] : memref<320000xf32, #tpu.memory_space<hbm>> -> memref<80xf32, #tpu.memory_space<hbm>>
        %dma_wait3A_106 = tpu.memref_slice %arg8[%add3A_81] : memref<320000xf32, #tpu.memory_space<hbm>> -> memref<80xf32, #tpu.memory_space<hbm>>
        tpu.wait_dma2 semaphore(%run_scoped3A : memref<!tpu.dma_semaphore, #tpu.memory_space<semaphore_mem>>) src(%dma_wait3A_106 : memref<80xf32, #tpu.memory_space<hbm>>) dst(%arg22 : memref<80xf32, #tpu.memory_space<vmem>>)
        tpu.yield
      }) : () -> ()
      %dma_start3A = arith.constant 0 : i32
      %dma_start3A_82 = arith.constant 0 : i32
      %dma_start3A_83 = tpu.memref_slice %arg2[%dma_start3A, %dma_start3A_82] : memref<10000x128xf32, #tpu.memory_space<hbm>> -> memref<10000x128xf32, #tpu.memory_space<hbm>>
      tpu.enqueue_indirect_dma source(%dma_start3A_83 : memref<10000x128xf32, #tpu.memory_space<hbm>>) target(%arg14 : memref<80x128xf32, #tpu.memory_space<vmem>>) offsets(%arg20 : memref<80xi32, #tpu.memory_space<vmem>>) semaphore(%arg24 : memref<!tpu.dma_semaphore, #tpu.memory_space<semaphore_mem>>)
      %dma_wait3A = arith.constant 0 : i32
      %dma_wait3A_84 = arith.constant 0 : i32
      %dma_wait3A_85 = tpu.memref_slice %arg2[%dma_wait3A, %dma_wait3A_84] : memref<10000x128xf32, #tpu.memory_space<hbm>> -> memref<10000x128xf32, #tpu.memory_space<hbm>>
      tpu.wait_indirect_dma semaphore(%arg24 : memref<!tpu.dma_semaphore, #tpu.memory_space<semaphore_mem>>) src(%dma_wait3A_85 : memref<10000x128xf32, #tpu.memory_space<hbm>>) dst(%arg14 : memref<80x128xf32, #tpu.memory_space<vmem>>)
      %dma_start3A_86 = arith.constant 0 : i32
      %dma_start3A_87 = arith.constant 0 : i32
      %dma_start3A_88 = tpu.memref_slice %arg3[%dma_start3A_86, %dma_start3A_87] : memref<10000x128xf32, #tpu.memory_space<hbm>> -> memref<10000x128xf32, #tpu.memory_space<hbm>>
      tpu.enqueue_indirect_dma source(%dma_start3A_88 : memref<10000x128xf32, #tpu.memory_space<hbm>>) target(%arg15 : memref<80x128xf32, #tpu.memory_space<vmem>>) offsets(%arg19 : memref<80xi32, #tpu.memory_space<vmem>>) semaphore(%arg24 : memref<!tpu.dma_semaphore, #tpu.memory_space<semaphore_mem>>)
      %dma_wait3A_89 = arith.constant 0 : i32
      %dma_wait3A_90 = arith.constant 0 : i32
      %dma_wait3A_91 = tpu.memref_slice %arg3[%dma_wait3A_89, %dma_wait3A_90] : memref<10000x128xf32, #tpu.memory_space<hbm>> -> memref<10000x128xf32, #tpu.memory_space<hbm>>
      tpu.wait_indirect_dma semaphore(%arg24 : memref<!tpu.dma_semaphore, #tpu.memory_space<semaphore_mem>>) src(%dma_wait3A_91 : memref<10000x128xf32, #tpu.memory_space<hbm>>) dst(%arg15 : memref<80x128xf32, #tpu.memory_space<vmem>>)
      %dma_start3A_92 = arith.constant 0 : i32
      %dma_start3A_93 = arith.constant 0 : i32
      %dma_start3A_94 = tpu.memref_slice %arg4[%dma_start3A_92, %dma_start3A_93] : memref<10000x128xf32, #tpu.memory_space<hbm>> -> memref<10000x128xf32, #tpu.memory_space<hbm>>
      tpu.enqueue_indirect_dma source(%dma_start3A_94 : memref<10000x128xf32, #tpu.memory_space<hbm>>) target(%arg16 : memref<80x128xf32, #tpu.memory_space<vmem>>) offsets(%arg19 : memref<80xi32, #tpu.memory_space<vmem>>) semaphore(%arg24 : memref<!tpu.dma_semaphore, #tpu.memory_space<semaphore_mem>>)
      %dma_wait3A_95 = arith.constant 0 : i32
      %dma_wait3A_96 = arith.constant 0 : i32
      %dma_wait3A_97 = tpu.memref_slice %arg4[%dma_wait3A_95, %dma_wait3A_96] : memref<10000x128xf32, #tpu.memory_space<hbm>> -> memref<10000x128xf32, #tpu.memory_space<hbm>>
      tpu.wait_indirect_dma semaphore(%arg24 : memref<!tpu.dma_semaphore, #tpu.memory_space<semaphore_mem>>) src(%dma_wait3A_97 : memref<10000x128xf32, #tpu.memory_space<hbm>>) dst(%arg16 : memref<80x128xf32, #tpu.memory_space<vmem>>)
      %parallel_loop3A = arith.constant 0 : i32
      %parallel_loop3A_98 = arith.constant 80 : i32
      %parallel_loop3A_99 = arith.constant 1 : i32
      scf.for %parallel_loop3A_103 = %parallel_loop3A to %parallel_loop3A_98 step %parallel_loop3A_99  : i32 {
        %parallel_loop3A_104 = vector.broadcast %parallel_loop3A_103 : i32 to vector<16xi32>
        %parallel_loop3A_105 = tpu.vector_load_idx %arg21[%parallel_loop3A_104] : memref<80xf32, #tpu.memory_space<vmem>>[vector<16xi32>], vector<16xf32>,
        %parallel_loop3A_106 = tpu.vector_load_idx %arg22[%parallel_loop3A_104] : memref<80xf32, #tpu.memory_space<vmem>>[vector<16xi32>], vector<16xf32>,
        %parallel_loop3A_107 = arith.mulf %parallel_loop3A_105, %get3A_7 : vector<16xf32>
        %parallel_loop3A_108 = arith.mulf %parallel_loop3A_106, %get3A_39 : vector<16xf32>
        %parallel_loop3A_109 = arith.addf %parallel_loop3A_107, %parallel_loop3A_108 : vector<16xf32>
        %parallel_loop3A_110 = arith.mulf %parallel_loop3A_105, %get3A_11 : vector<16xf32>
        %parallel_loop3A_111 = arith.mulf %parallel_loop3A_106, %get3A_43 : vector<16xf32>
        %parallel_loop3A_112 = arith.addf %parallel_loop3A_110, %parallel_loop3A_111 : vector<16xf32>
        %parallel_loop3A_113 = arith.mulf %parallel_loop3A_105, %get3A_15 : vector<16xf32>
        %parallel_loop3A_114 = arith.mulf %parallel_loop3A_106, %get3A_47 : vector<16xf32>
        %parallel_loop3A_115 = arith.addf %parallel_loop3A_113, %parallel_loop3A_114 : vector<16xf32>
        %parallel_loop3A_116 = arith.mulf %parallel_loop3A_105, %get3A_19 : vector<16xf32>
        %parallel_loop3A_117 = arith.mulf %parallel_loop3A_106, %get3A_51 : vector<16xf32>
        %parallel_loop3A_118 = arith.addf %parallel_loop3A_116, %parallel_loop3A_117 : vector<16xf32>
        %parallel_loop3A_119 = arith.mulf %parallel_loop3A_105, %get3A_23 : vector<16xf32>
        %parallel_loop3A_120 = arith.mulf %parallel_loop3A_106, %get3A_55 : vector<16xf32>
        %parallel_loop3A_121 = arith.addf %parallel_loop3A_119, %parallel_loop3A_120 : vector<16xf32>
        %parallel_loop3A_122 = arith.mulf %parallel_loop3A_105, %get3A_27 : vector<16xf32>
        %parallel_loop3A_123 = arith.mulf %parallel_loop3A_106, %get3A_59 : vector<16xf32>
        %parallel_loop3A_124 = arith.addf %parallel_loop3A_122, %parallel_loop3A_123 : vector<16xf32>
        %parallel_loop3A_125 = arith.mulf %parallel_loop3A_105, %get3A_31 : vector<16xf32>
        %parallel_loop3A_126 = arith.mulf %parallel_loop3A_106, %get3A_63 : vector<16xf32>
        %parallel_loop3A_127 = arith.addf %parallel_loop3A_125, %parallel_loop3A_126 : vector<16xf32>
        %parallel_loop3A_128 = arith.mulf %parallel_loop3A_105, %get3A_35 : vector<16xf32>
        %parallel_loop3A_129 = arith.mulf %parallel_loop3A_106, %get3A_67 : vector<16xf32>
        %parallel_loop3A_130 = arith.addf %parallel_loop3A_128, %parallel_loop3A_129 : vector<16xf32>
        %parallel_loop3A_131 = arith.index_cast %parallel_loop3A_103 : i32 to index
        %parallel_loop3A_132 = arith.constant 0 : index
        %parallel_loop3A_133 = tpu.vector_load %arg14[%parallel_loop3A_131, %parallel_loop3A_132] {strides = array<i32>} : memref<80x128xf32, #tpu.memory_space<vmem>>, vector<16xf32>,
        %parallel_loop3A_134 = arith.index_cast %parallel_loop3A_103 : i32 to index
        %parallel_loop3A_135 = arith.constant 0 : index
        %parallel_loop3A_136 = tpu.vector_load %arg15[%parallel_loop3A_134, %parallel_loop3A_135] {strides = array<i32>} : memref<80x128xf32, #tpu.memory_space<vmem>>, vector<16xf32>,
        %parallel_loop3A_137 = arith.addf %parallel_loop3A_136, %parallel_loop3A_109 : vector<16xf32>
        %parallel_loop3A_138 = arith.mulf %parallel_loop3A_133, %parallel_loop3A_137 : vector<16xf32>
        %parallel_loop3A_139 = arith.index_cast %parallel_loop3A_103 : i32 to index
        %parallel_loop3A_140 = arith.constant 16 : index
        %parallel_loop3A_141 = tpu.vector_load %arg14[%parallel_loop3A_139, %parallel_loop3A_140] {strides = array<i32>} : memref<80x128xf32, #tpu.memory_space<vmem>>, vector<16xf32>,
        %parallel_loop3A_142 = arith.index_cast %parallel_loop3A_103 : i32 to index
        %parallel_loop3A_143 = arith.constant 16 : index
        %parallel_loop3A_144 = tpu.vector_load %arg15[%parallel_loop3A_142, %parallel_loop3A_143] {strides = array<i32>} : memref<80x128xf32, #tpu.memory_space<vmem>>, vector<16xf32>,
        %parallel_loop3A_145 = arith.addf %parallel_loop3A_144, %parallel_loop3A_112 : vector<16xf32>
        %parallel_loop3A_146 = arith.mulf %parallel_loop3A_141, %parallel_loop3A_145 : vector<16xf32>
        %parallel_loop3A_147 = arith.index_cast %parallel_loop3A_103 : i32 to index
        %parallel_loop3A_148 = arith.constant 32 : index
        %parallel_loop3A_149 = tpu.vector_load %arg14[%parallel_loop3A_147, %parallel_loop3A_148] {strides = array<i32>} : memref<80x128xf32, #tpu.memory_space<vmem>>, vector<16xf32>,
        %parallel_loop3A_150 = arith.index_cast %parallel_loop3A_103 : i32 to index
        %parallel_loop3A_151 = arith.constant 32 : index
        %parallel_loop3A_152 = tpu.vector_load %arg15[%parallel_loop3A_150, %parallel_loop3A_151] {strides = array<i32>} : memref<80x128xf32, #tpu.memory_space<vmem>>, vector<16xf32>,
        %parallel_loop3A_153 = arith.addf %parallel_loop3A_152, %parallel_loop3A_115 : vector<16xf32>
        %parallel_loop3A_154 = arith.mulf %parallel_loop3A_149, %parallel_loop3A_153 : vector<16xf32>
        %parallel_loop3A_155 = arith.index_cast %parallel_loop3A_103 : i32 to index
        %parallel_loop3A_156 = arith.constant 48 : index
        %parallel_loop3A_157 = tpu.vector_load %arg14[%parallel_loop3A_155, %parallel_loop3A_156] {strides = array<i32>} : memref<80x128xf32, #tpu.memory_space<vmem>>, vector<16xf32>,
        %parallel_loop3A_158 = arith.index_cast %parallel_loop3A_103 : i32 to index
        %parallel_loop3A_159 = arith.constant 48 : index
        %parallel_loop3A_160 = tpu.vector_load %arg15[%parallel_loop3A_158, %parallel_loop3A_159] {strides = array<i32>} : memref<80x128xf32, #tpu.memory_space<vmem>>, vector<16xf32>,
        %parallel_loop3A_161 = arith.addf %parallel_loop3A_160, %parallel_loop3A_118 : vector<16xf32>
        %parallel_loop3A_162 = arith.mulf %parallel_loop3A_157, %parallel_loop3A_161 : vector<16xf32>
        %parallel_loop3A_163 = arith.index_cast %parallel_loop3A_103 : i32 to index
        %parallel_loop3A_164 = arith.constant 64 : index
        %parallel_loop3A_165 = tpu.vector_load %arg14[%parallel_loop3A_163, %parallel_loop3A_164] {strides = array<i32>} : memref<80x128xf32, #tpu.memory_space<vmem>>, vector<16xf32>,
        %parallel_loop3A_166 = arith.index_cast %parallel_loop3A_103 : i32 to index
        %parallel_loop3A_167 = arith.constant 64 : index
        %parallel_loop3A_168 = tpu.vector_load %arg15[%parallel_loop3A_166, %parallel_loop3A_167] {strides = array<i32>} : memref<80x128xf32, #tpu.memory_space<vmem>>, vector<16xf32>,
        %parallel_loop3A_169 = arith.addf %parallel_loop3A_168, %parallel_loop3A_121 : vector<16xf32>
        %parallel_loop3A_170 = arith.mulf %parallel_loop3A_165, %parallel_loop3A_169 : vector<16xf32>
        %parallel_loop3A_171 = arith.index_cast %parallel_loop3A_103 : i32 to index
        %parallel_loop3A_172 = arith.constant 80 : index
        %parallel_loop3A_173 = tpu.vector_load %arg14[%parallel_loop3A_171, %parallel_loop3A_172] {strides = array<i32>} : memref<80x128xf32, #tpu.memory_space<vmem>>, vector<16xf32>,
        %parallel_loop3A_174 = arith.index_cast %parallel_loop3A_103 : i32 to index
        %parallel_loop3A_175 = arith.constant 80 : index
        %parallel_loop3A_176 = tpu.vector_load %arg15[%parallel_loop3A_174, %parallel_loop3A_175] {strides = array<i32>} : memref<80x128xf32, #tpu.memory_space<vmem>>, vector<16xf32>,
        %parallel_loop3A_177 = arith.addf %parallel_loop3A_176, %parallel_loop3A_124 : vector<16xf32>
        %parallel_loop3A_178 = arith.mulf %parallel_loop3A_173, %parallel_loop3A_177 : vector<16xf32>
        %parallel_loop3A_179 = arith.index_cast %parallel_loop3A_103 : i32 to index
        %parallel_loop3A_180 = arith.constant 96 : index
        %parallel_loop3A_181 = tpu.vector_load %arg14[%parallel_loop3A_179, %parallel_loop3A_180] {strides = array<i32>} : memref<80x128xf32, #tpu.memory_space<vmem>>, vector<16xf32>,
        %parallel_loop3A_182 = arith.index_cast %parallel_loop3A_103 : i32 to index
        %parallel_loop3A_183 = arith.constant 96 : index
        %parallel_loop3A_184 = tpu.vector_load %arg15[%parallel_loop3A_182, %parallel_loop3A_183] {strides = array<i32>} : memref<80x128xf32, #tpu.memory_space<vmem>>, vector<16xf32>,
        %parallel_loop3A_185 = arith.addf %parallel_loop3A_184, %parallel_loop3A_127 : vector<16xf32>
        %parallel_loop3A_186 = arith.mulf %parallel_loop3A_181, %parallel_loop3A_185 : vector<16xf32>
        %parallel_loop3A_187 = arith.index_cast %parallel_loop3A_103 : i32 to index
        %parallel_loop3A_188 = arith.constant 112 : index
        %parallel_loop3A_189 = tpu.vector_load %arg14[%parallel_loop3A_187, %parallel_loop3A_188] {strides = array<i32>} : memref<80x128xf32, #tpu.memory_space<vmem>>, vector<16xf32>,
        %parallel_loop3A_190 = arith.index_cast %parallel_loop3A_103 : i32 to index
        %parallel_loop3A_191 = arith.constant 112 : index
        %parallel_loop3A_192 = tpu.vector_load %arg15[%parallel_loop3A_190, %parallel_loop3A_191] {strides = array<i32>} : memref<80x128xf32, #tpu.memory_space<vmem>>, vector<16xf32>,
        %parallel_loop3A_193 = arith.addf %parallel_loop3A_192, %parallel_loop3A_130 : vector<16xf32>
        %parallel_loop3A_194 = arith.mulf %parallel_loop3A_189, %parallel_loop3A_193 : vector<16xf32>
        %parallel_loop3A_195 = arith.addf %parallel_loop3A_138, %parallel_loop3A_146 : vector<16xf32>
        %parallel_loop3A_196 = arith.constant true
        %parallel_loop3A_197 = vector.broadcast %parallel_loop3A_196 : i1 to vector<16xi1>
        %parallel_loop3A_198 = tpu.scan <sum>, %parallel_loop3A_195 masked %parallel_loop3A_197 : vector<16xf32>, vector<16xi1> -> vector<16xf32>
        %parallel_loop3A_199 = vector.extract %parallel_loop3A_198[15] : f32 from vector<16xf32>
        %parallel_loop3A_200 = arith.constant 0.176776692 : f32
        %parallel_loop3A_201 = arith.mulf %parallel_loop3A_199, %parallel_loop3A_200 : f32
        %parallel_loop3A_202 = vector.broadcast %parallel_loop3A_201 : f32 to vector<16xf32>
        %parallel_loop3A_203 = math.exp %parallel_loop3A_202 : vector<16xf32>
        %parallel_loop3A_204 = arith.constant 4 : i32
        %parallel_loop3A_205 = vector.broadcast %parallel_loop3A_204 : i32 to vector<16xi32>
        %parallel_loop3A_206 = arith.muli %parallel_loop3A_104, %parallel_loop3A_205 : vector<16xi32>
        %parallel_loop3A_207 = arith.constant 0 : i32
        %parallel_loop3A_208 = vector.broadcast %parallel_loop3A_207 : i32 to vector<16xi32>
        %parallel_loop3A_209 = arith.addi %parallel_loop3A_206, %parallel_loop3A_208 : vector<16xi32>
        tpu.vector_store_idx %arg18[%parallel_loop3A_209], %parallel_loop3A_203 masked %lt3A_69 : memref<320xf32, #tpu.memory_space<vmem>>[vector<16xi32>], vector<16xf32>, vector<16xi1>
        %parallel_loop3A_210 = arith.addf %parallel_loop3A_154, %parallel_loop3A_162 : vector<16xf32>
        %parallel_loop3A_211 = arith.constant true
        %parallel_loop3A_212 = vector.broadcast %parallel_loop3A_211 : i1 to vector<16xi1>
        %parallel_loop3A_213 = tpu.scan <sum>, %parallel_loop3A_210 masked %parallel_loop3A_212 : vector<16xf32>, vector<16xi1> -> vector<16xf32>
        %parallel_loop3A_214 = vector.extract %parallel_loop3A_213[15] : f32 from vector<16xf32>
        %parallel_loop3A_215 = arith.constant 0.176776692 : f32
        %parallel_loop3A_216 = arith.mulf %parallel_loop3A_214, %parallel_loop3A_215 : f32
        %parallel_loop3A_217 = vector.broadcast %parallel_loop3A_216 : f32 to vector<16xf32>
        %parallel_loop3A_218 = math.exp %parallel_loop3A_217 : vector<16xf32>
        %parallel_loop3A_219 = arith.constant 4 : i32
        %parallel_loop3A_220 = vector.broadcast %parallel_loop3A_219 : i32 to vector<16xi32>
        %parallel_loop3A_221 = arith.muli %parallel_loop3A_104, %parallel_loop3A_220 : vector<16xi32>
        %parallel_loop3A_222 = arith.constant 1 : i32
        %parallel_loop3A_223 = vector.broadcast %parallel_loop3A_222 : i32 to vector<16xi32>
        %parallel_loop3A_224 = arith.addi %parallel_loop3A_221, %parallel_loop3A_223 : vector<16xi32>
        tpu.vector_store_idx %arg18[%parallel_loop3A_224], %parallel_loop3A_218 masked %lt3A_69 : memref<320xf32, #tpu.memory_space<vmem>>[vector<16xi32>], vector<16xf32>, vector<16xi1>
        %parallel_loop3A_225 = arith.addf %parallel_loop3A_170, %parallel_loop3A_178 : vector<16xf32>
        %parallel_loop3A_226 = arith.constant true
        %parallel_loop3A_227 = vector.broadcast %parallel_loop3A_226 : i1 to vector<16xi1>
        %parallel_loop3A_228 = tpu.scan <sum>, %parallel_loop3A_225 masked %parallel_loop3A_227 : vector<16xf32>, vector<16xi1> -> vector<16xf32>
        %parallel_loop3A_229 = vector.extract %parallel_loop3A_228[15] : f32 from vector<16xf32>
        %parallel_loop3A_230 = arith.constant 0.176776692 : f32
        %parallel_loop3A_231 = arith.mulf %parallel_loop3A_229, %parallel_loop3A_230 : f32
        %parallel_loop3A_232 = vector.broadcast %parallel_loop3A_231 : f32 to vector<16xf32>
        %parallel_loop3A_233 = math.exp %parallel_loop3A_232 : vector<16xf32>
        %parallel_loop3A_234 = arith.constant 4 : i32
        %parallel_loop3A_235 = vector.broadcast %parallel_loop3A_234 : i32 to vector<16xi32>
        %parallel_loop3A_236 = arith.muli %parallel_loop3A_104, %parallel_loop3A_235 : vector<16xi32>
        %parallel_loop3A_237 = arith.constant 2 : i32
        %parallel_loop3A_238 = vector.broadcast %parallel_loop3A_237 : i32 to vector<16xi32>
        %parallel_loop3A_239 = arith.addi %parallel_loop3A_236, %parallel_loop3A_238 : vector<16xi32>
        tpu.vector_store_idx %arg18[%parallel_loop3A_239], %parallel_loop3A_233 masked %lt3A_69 : memref<320xf32, #tpu.memory_space<vmem>>[vector<16xi32>], vector<16xf32>, vector<16xi1>
        %parallel_loop3A_240 = arith.addf %parallel_loop3A_186, %parallel_loop3A_194 : vector<16xf32>
        %parallel_loop3A_241 = arith.constant true
        %parallel_loop3A_242 = vector.broadcast %parallel_loop3A_241 : i1 to vector<16xi1>
        %parallel_loop3A_243 = tpu.scan <sum>, %parallel_loop3A_240 masked %parallel_loop3A_242 : vector<16xf32>, vector<16xi1> -> vector<16xf32>
        %parallel_loop3A_244 = vector.extract %parallel_loop3A_243[15] : f32 from vector<16xf32>
        %parallel_loop3A_245 = arith.constant 0.176776692 : f32
        %parallel_loop3A_246 = arith.mulf %parallel_loop3A_244, %parallel_loop3A_245 : f32
        %parallel_loop3A_247 = vector.broadcast %parallel_loop3A_246 : f32 to vector<16xf32>
        %parallel_loop3A_248 = math.exp %parallel_loop3A_247 : vector<16xf32>
        %parallel_loop3A_249 = arith.constant 4 : i32
        %parallel_loop3A_250 = vector.broadcast %parallel_loop3A_249 : i32 to vector<16xi32>
        %parallel_loop3A_251 = arith.muli %parallel_loop3A_104, %parallel_loop3A_250 : vector<16xi32>
        %parallel_loop3A_252 = arith.constant 3 : i32
        %parallel_loop3A_253 = vector.broadcast %parallel_loop3A_252 : i32 to vector<16xi32>
        %parallel_loop3A_254 = arith.addi %parallel_loop3A_251, %parallel_loop3A_253 : vector<16xi32>
        tpu.vector_store_idx %arg18[%parallel_loop3A_254], %parallel_loop3A_248 masked %lt3A_69 : memref<320xf32, #tpu.memory_space<vmem>>[vector<16xi32>], vector<16xf32>, vector<16xi1>
        %parallel_loop3A_255 = arith.index_cast %parallel_loop3A_103 : i32 to index
        %parallel_loop3A_256 = arith.constant 0 : index
        %parallel_loop3A_257 = tpu.vector_load %arg16[%parallel_loop3A_255, %parallel_loop3A_256] {strides = array<i32>} : memref<80x128xf32, #tpu.memory_space<vmem>>, vector<16xf32>,
        %parallel_loop3A_258 = arith.addf %parallel_loop3A_257, %parallel_loop3A_109 : vector<16xf32>
        %parallel_loop3A_259 = arith.mulf %parallel_loop3A_258, %parallel_loop3A_203 : vector<16xf32>
        %parallel_loop3A_260 = arith.index_cast %parallel_loop3A_103 : i32 to index
        %parallel_loop3A_261 = arith.constant 0 : index
        %parallel_loop3A_262 = tpu.vector_load %arg17[%parallel_loop3A_260, %parallel_loop3A_261] {strides = array<i32>} : memref<80x128xf32, #tpu.memory_space<vmem>>, vector<16xf32>,
        tpu.vector_store %arg17[%parallel_loop3A_260, %parallel_loop3A_261], %parallel_loop3A_259 {strides = array<i32>} : memref<80x128xf32, #tpu.memory_space<vmem>>, vector<16xf32>,
        %parallel_loop3A_263 = arith.index_cast %parallel_loop3A_103 : i32 to index
        %parallel_loop3A_264 = arith.constant 16 : index
        %parallel_loop3A_265 = tpu.vector_load %arg16[%parallel_loop3A_263, %parallel_loop3A_264] {strides = array<i32>} : memref<80x128xf32, #tpu.memory_space<vmem>>, vector<16xf32>,
        %parallel_loop3A_266 = arith.addf %parallel_loop3A_265, %parallel_loop3A_112 : vector<16xf32>
        %parallel_loop3A_267 = arith.mulf %parallel_loop3A_266, %parallel_loop3A_203 : vector<16xf32>
        %parallel_loop3A_268 = arith.index_cast %parallel_loop3A_103 : i32 to index
        %parallel_loop3A_269 = arith.constant 16 : index
        %parallel_loop3A_270 = tpu.vector_load %arg17[%parallel_loop3A_268, %parallel_loop3A_269] {strides = array<i32>} : memref<80x128xf32, #tpu.memory_space<vmem>>, vector<16xf32>,
        tpu.vector_store %arg17[%parallel_loop3A_268, %parallel_loop3A_269], %parallel_loop3A_267 {strides = array<i32>} : memref<80x128xf32, #tpu.memory_space<vmem>>, vector<16xf32>,
        %parallel_loop3A_271 = arith.index_cast %parallel_loop3A_103 : i32 to index
        %parallel_loop3A_272 = arith.constant 32 : index
        %parallel_loop3A_273 = tpu.vector_load %arg16[%parallel_loop3A_271, %parallel_loop3A_272] {strides = array<i32>} : memref<80x128xf32, #tpu.memory_space<vmem>>, vector<16xf32>,
        %parallel_loop3A_274 = arith.addf %parallel_loop3A_273, %parallel_loop3A_115 : vector<16xf32>
        %parallel_loop3A_275 = arith.mulf %parallel_loop3A_274, %parallel_loop3A_218 : vector<16xf32>
        %parallel_loop3A_276 = arith.index_cast %parallel_loop3A_103 : i32 to index
        %parallel_loop3A_277 = arith.constant 32 : index
        %parallel_loop3A_278 = tpu.vector_load %arg17[%parallel_loop3A_276, %parallel_loop3A_277] {strides = array<i32>} : memref<80x128xf32, #tpu.memory_space<vmem>>, vector<16xf32>,
        tpu.vector_store %arg17[%parallel_loop3A_276, %parallel_loop3A_277], %parallel_loop3A_275 {strides = array<i32>} : memref<80x128xf32, #tpu.memory_space<vmem>>, vector<16xf32>,
        %parallel_loop3A_279 = arith.index_cast %parallel_loop3A_103 : i32 to index
        %parallel_loop3A_280 = arith.constant 48 : index
        %parallel_loop3A_281 = tpu.vector_load %arg16[%parallel_loop3A_279, %parallel_loop3A_280] {strides = array<i32>} : memref<80x128xf32, #tpu.memory_space<vmem>>, vector<16xf32>,
        %parallel_loop3A_282 = arith.addf %parallel_loop3A_281, %parallel_loop3A_118 : vector<16xf32>
        %parallel_loop3A_283 = arith.mulf %parallel_loop3A_282, %parallel_loop3A_218 : vector<16xf32>
        %parallel_loop3A_284 = arith.index_cast %parallel_loop3A_103 : i32 to index
        %parallel_loop3A_285 = arith.constant 48 : index
        %parallel_loop3A_286 = tpu.vector_load %arg17[%parallel_loop3A_284, %parallel_loop3A_285] {strides = array<i32>} : memref<80x128xf32, #tpu.memory_space<vmem>>, vector<16xf32>,
        tpu.vector_store %arg17[%parallel_loop3A_284, %parallel_loop3A_285], %parallel_loop3A_283 {strides = array<i32>} : memref<80x128xf32, #tpu.memory_space<vmem>>, vector<16xf32>,
        %parallel_loop3A_287 = arith.index_cast %parallel_loop3A_103 : i32 to index
        %parallel_loop3A_288 = arith.constant 64 : index
        %parallel_loop3A_289 = tpu.vector_load %arg16[%parallel_loop3A_287, %parallel_loop3A_288] {strides = array<i32>} : memref<80x128xf32, #tpu.memory_space<vmem>>, vector<16xf32>,
        %parallel_loop3A_290 = arith.addf %parallel_loop3A_289, %parallel_loop3A_121 : vector<16xf32>
        %parallel_loop3A_291 = arith.mulf %parallel_loop3A_290, %parallel_loop3A_233 : vector<16xf32>
        %parallel_loop3A_292 = arith.index_cast %parallel_loop3A_103 : i32 to index
        %parallel_loop3A_293 = arith.constant 64 : index
        %parallel_loop3A_294 = tpu.vector_load %arg17[%parallel_loop3A_292, %parallel_loop3A_293] {strides = array<i32>} : memref<80x128xf32, #tpu.memory_space<vmem>>, vector<16xf32>,
        tpu.vector_store %arg17[%parallel_loop3A_292, %parallel_loop3A_293], %parallel_loop3A_291 {strides = array<i32>} : memref<80x128xf32, #tpu.memory_space<vmem>>, vector<16xf32>,
        %parallel_loop3A_295 = arith.index_cast %parallel_loop3A_103 : i32 to index
        %parallel_loop3A_296 = arith.constant 80 : index
        %parallel_loop3A_297 = tpu.vector_load %arg16[%parallel_loop3A_295, %parallel_loop3A_296] {strides = array<i32>} : memref<80x128xf32, #tpu.memory_space<vmem>>, vector<16xf32>,
        %parallel_loop3A_298 = arith.addf %parallel_loop3A_297, %parallel_loop3A_124 : vector<16xf32>
        %parallel_loop3A_299 = arith.mulf %parallel_loop3A_298, %parallel_loop3A_233 : vector<16xf32>
        %parallel_loop3A_300 = arith.index_cast %parallel_loop3A_103 : i32 to index
        %parallel_loop3A_301 = arith.constant 80 : index
        %parallel_loop3A_302 = tpu.vector_load %arg17[%parallel_loop3A_300, %parallel_loop3A_301] {strides = array<i32>} : memref<80x128xf32, #tpu.memory_space<vmem>>, vector<16xf32>,
        tpu.vector_store %arg17[%parallel_loop3A_300, %parallel_loop3A_301], %parallel_loop3A_299 {strides = array<i32>} : memref<80x128xf32, #tpu.memory_space<vmem>>, vector<16xf32>,
        %parallel_loop3A_303 = arith.index_cast %parallel_loop3A_103 : i32 to index
        %parallel_loop3A_304 = arith.constant 96 : index
        %parallel_loop3A_305 = tpu.vector_load %arg16[%parallel_loop3A_303, %parallel_loop3A_304] {strides = array<i32>} : memref<80x128xf32, #tpu.memory_space<vmem>>, vector<16xf32>,
        %parallel_loop3A_306 = arith.addf %parallel_loop3A_305, %parallel_loop3A_127 : vector<16xf32>
        %parallel_loop3A_307 = arith.mulf %parallel_loop3A_306, %parallel_loop3A_248 : vector<16xf32>
        %parallel_loop3A_308 = arith.index_cast %parallel_loop3A_103 : i32 to index
        %parallel_loop3A_309 = arith.constant 96 : index
        %parallel_loop3A_310 = tpu.vector_load %arg17[%parallel_loop3A_308, %parallel_loop3A_309] {strides = array<i32>} : memref<80x128xf32, #tpu.memory_space<vmem>>, vector<16xf32>,
        tpu.vector_store %arg17[%parallel_loop3A_308, %parallel_loop3A_309], %parallel_loop3A_307 {strides = array<i32>} : memref<80x128xf32, #tpu.memory_space<vmem>>, vector<16xf32>,
        %parallel_loop3A_311 = arith.index_cast %parallel_loop3A_103 : i32 to index
        %parallel_loop3A_312 = arith.constant 112 : index
        %parallel_loop3A_313 = tpu.vector_load %arg16[%parallel_loop3A_311, %parallel_loop3A_312] {strides = array<i32>} : memref<80x128xf32, #tpu.memory_space<vmem>>, vector<16xf32>,
        %parallel_loop3A_314 = arith.addf %parallel_loop3A_313, %parallel_loop3A_130 : vector<16xf32>
        %parallel_loop3A_315 = arith.mulf %parallel_loop3A_314, %parallel_loop3A_248 : vector<16xf32>
        %parallel_loop3A_316 = arith.index_cast %parallel_loop3A_103 : i32 to index
        %parallel_loop3A_317 = arith.constant 112 : index
        %parallel_loop3A_318 = tpu.vector_load %arg17[%parallel_loop3A_316, %parallel_loop3A_317] {strides = array<i32>} : memref<80x128xf32, #tpu.memory_space<vmem>>, vector<16xf32>,
        tpu.vector_store %arg17[%parallel_loop3A_316, %parallel_loop3A_317], %parallel_loop3A_315 {strides = array<i32>} : memref<80x128xf32, #tpu.memory_space<vmem>>, vector<16xf32>,
      } {sc.loop_unroll_factor = 8 : i64, sc.parallel_access}
      "tpu.region"() ({
        %run_scoped3A = tpu.sem_alloc : memref<!tpu.dma_semaphore, #tpu.memory_space<semaphore_mem>>
        %dma_start3A_103 = arith.constant 0 : i32
        %dma_start3A_104 = arith.constant 0 : i32
        %dma_start3A_105 = tpu.memref_slice %arg13[%dma_start3A_103, %dma_start3A_104] : memref<10240x128xf32, #tpu.memory_space<vmem_shared>> -> memref<10240x128xf32, #tpu.memory_space<vmem_shared>>
        tpu.enqueue_indirect_dma source(%arg17 : memref<80x128xf32, #tpu.memory_space<vmem>>) target(%dma_start3A_105 : memref<10240x128xf32, #tpu.memory_space<vmem_shared>>) offsets(%arg20 : memref<80xi32, #tpu.memory_space<vmem>>) semaphore(%run_scoped3A : memref<!tpu.dma_semaphore, #tpu.memory_space<semaphore_mem>>) {add = true}
        %dma_wait3A_106 = arith.constant 0 : i32
        %dma_wait3A_107 = arith.constant 0 : i32
        %dma_wait3A_108 = tpu.memref_slice %arg13[%dma_wait3A_106, %dma_wait3A_107] : memref<10240x128xf32, #tpu.memory_space<vmem_shared>> -> memref<10240x128xf32, #tpu.memory_space<vmem_shared>>
        tpu.wait_indirect_dma semaphore(%run_scoped3A : memref<!tpu.dma_semaphore, #tpu.memory_space<semaphore_mem>>) src(%arg17 : memref<80x128xf32, #tpu.memory_space<vmem>>) dst(%dma_wait3A_108 : memref<10240x128xf32, #tpu.memory_space<vmem_shared>>)
        tpu.yield
      }) : () -> ()
      %mul3A_100 = arith.constant 4 : i32
      %mul3A_101 = arith.muli %add3A_81, %mul3A_100 : i32
      "tpu.region"() ({
        %run_scoped3A = tpu.sem_alloc : memref<!tpu.dma_semaphore, #tpu.memory_space<semaphore_mem>>
        %dma_start3A_103 = tpu.memref_slice %arg12[%mul3A_101] : memref<1280000xf32, #tpu.memory_space<hbm>> -> memref<320xf32, #tpu.memory_space<hbm>>
        %dma_start3A_104 = tpu.memref_slice %arg12[%mul3A_101] : memref<1280000xf32, #tpu.memory_space<hbm>> -> memref<320xf32, #tpu.memory_space<hbm>>
        tpu.enqueue_dma source(%arg18 : memref<320xf32, #tpu.memory_space<vmem>>) target(%dma_start3A_104 : memref<320xf32, #tpu.memory_space<hbm>>) target_semaphore(%run_scoped3A : memref<!tpu.dma_semaphore, #tpu.memory_space<semaphore_mem>>)
        %dma_wait3A_105 = tpu.memref_slice %arg12[%mul3A_101] : memref<1280000xf32, #tpu.memory_space<hbm>> -> memref<320xf32, #tpu.memory_space<hbm>>
        %dma_wait3A_106 = tpu.memref_slice %arg12[%mul3A_101] : memref<1280000xf32, #tpu.memory_space<hbm>> -> memref<320xf32, #tpu.memory_space<hbm>>
        tpu.wait_dma2 semaphore(%run_scoped3A : memref<!tpu.dma_semaphore, #tpu.memory_space<semaphore_mem>>) src(%arg18 : memref<320xf32, #tpu.memory_space<vmem>>) dst(%dma_wait3A_106 : memref<320xf32, #tpu.memory_space<hbm>>)
        tpu.yield
      }) : () -> ()
      %scan3A_102 = arith.constant 0 : i32
      scf.yield %scan3A_102 : i32
    }
    %scan3A_75 = arith.constant 125 : i32
    %barrier3A_76 = arith.constant 0 : index
    tpu.barrier barrier_id(%barrier3A_76)
    "tpu.region"() ({
      %run_scoped3A = tpu.sem_alloc : memref<!tpu.dma_semaphore, #tpu.memory_space<semaphore_mem>>
      %dma_start3A = arith.constant 0 : i32
      %dma_start3A_77 = tpu.memref_slice %arg11[%arg0, %mul3A_4, %dma_start3A] : memref<2x10240x128xf32, #tpu.memory_space<hbm>> -> memref<1x640x128xf32, #tpu.memory_space<hbm>>
      %dma_start3A_78 = tpu.memref_squeeze %dma_start3A_77 : memref<1x640x128xf32, #tpu.memory_space<hbm>> -> memref<640x128xf32, #tpu.memory_space<hbm>>
      %dma_start3A_79 = arith.constant 0 : i32
      %dma_start3A_80 = tpu.memref_slice %arg13[%mul3A_4, %dma_start3A_79] : memref<10240x128xf32, #tpu.memory_space<vmem_shared>> -> memref<640x128xf32, #tpu.memory_space<vmem_shared>>
      tpu.enqueue_dma source(%dma_start3A_80 : memref<640x128xf32, #tpu.memory_space<vmem_shared>>) target(%dma_start3A_78 : memref<640x128xf32, #tpu.memory_space<hbm>>) target_semaphore(%run_scoped3A : memref<!tpu.dma_semaphore, #tpu.memory_space<semaphore_mem>>)
      %dma_wait3A = arith.constant 0 : i32
      %dma_wait3A_81 = tpu.memref_slice %arg11[%arg0, %mul3A_4, %dma_wait3A] : memref<2x10240x128xf32, #tpu.memory_space<hbm>> -> memref<1x640x128xf32, #tpu.memory_space<hbm>>
      %dma_wait3A_82 = tpu.memref_squeeze %dma_wait3A_81 : memref<1x640x128xf32, #tpu.memory_space<hbm>> -> memref<640x128xf32, #tpu.memory_space<hbm>>
      %dma_wait3A_83 = arith.constant 0 : i32
      %dma_wait3A_84 = tpu.memref_slice %arg13[%mul3A_4, %dma_wait3A_83] : memref<10240x128xf32, #tpu.memory_space<vmem_shared>> -> memref<640x128xf32, #tpu.memory_space<vmem_shared>>
      tpu.wait_dma2 semaphore(%run_scoped3A : memref<!tpu.dma_semaphore, #tpu.memory_space<semaphore_mem>>) src(%dma_wait3A_84 : memref<640x128xf32, #tpu.memory_space<vmem_shared>>) dst(%dma_wait3A_82 : memref<640x128xf32, #tpu.memory_space<hbm>>)
      tpu.yield
    }) : () -> ()
    return
  }
}

module attributes {stable_mosaic.version = 14 : i64} {
  func.func @_proj_body(%arg0: i32, %arg1: memref<400x128xf32, #tpu.memory_space<vmem>>, %arg2: memref<128x128xf32, #tpu.memory_space<vmem>>, %arg3: memref<128x128xf32, #tpu.memory_space<vmem>>, %arg4: memref<128x128xf32, #tpu.memory_space<vmem>>, %arg5: memref<128x128xf32, #tpu.memory_space<vmem>>, %arg6: memref<4x128xf32, #tpu.memory_space<vmem>>, %arg7: memref<400x128xf32, #tpu.memory_space<vmem>>, %arg8: memref<400x128xf32, #tpu.memory_space<vmem>>, %arg9: memref<400x128xf32, #tpu.memory_space<vmem>>, %arg10: memref<400x128xf32, #tpu.memory_space<vmem>>) attributes {dimension_semantics = [#tpu.dimension_semantics<arbitrary>], iteration_bounds = array<i64: 25>, scalar_prefetch = 0 : i64, scratch_operands = 0 : i64, tpu.core_type = #tpu.core_type<tc>, window_params = [{transform_indices = @transform_0, window_bounds = array<i64: 400, 128>}, {pipeline_mode = #tpu.pipeline_mode<synchronous>, transform_indices = @transform_1, window_bounds = array<i64: 128, 128>}, {pipeline_mode = #tpu.pipeline_mode<synchronous>, transform_indices = @transform_2, window_bounds = array<i64: 128, 128>}, {pipeline_mode = #tpu.pipeline_mode<synchronous>, transform_indices = @transform_3, window_bounds = array<i64: 128, 128>}, {pipeline_mode = #tpu.pipeline_mode<synchronous>, transform_indices = @transform_4, window_bounds = array<i64: 128, 128>}, {pipeline_mode = #tpu.pipeline_mode<synchronous>, transform_indices = @transform_5, window_bounds = array<i64: 4, 128>}, {transform_indices = @transform_6, window_bounds = array<i64: 400, 128>}, {transform_indices = @transform_7, window_bounds = array<i64: 400, 128>}, {transform_indices = @transform_8, window_bounds = array<i64: 400, 128>}, {transform_indices = @transform_9, window_bounds = array<i64: 400, 128>}]} {
    %get3A = arith.constant 0 : index
    %get3A_0 = arith.constant 0 : index
    %get3A_1 = vector.load %arg1[%get3A, %get3A_0] : memref<400x128xf32, #tpu.memory_space<vmem>>, vector<400x128xf32>
    %get3A_2 = arith.constant 0 : index
    %get3A_3 = arith.constant 0 : index
    %get3A_4 = vector.load %arg6[%get3A_2, %get3A_3] : memref<4x128xf32, #tpu.memory_space<vmem>>, vector<4x128xf32>
    %get3A_5 = arith.constant 0 : index
    %get3A_6 = arith.constant 0 : index
    %get3A_7 = vector.load %arg2[%get3A_5, %get3A_6] : memref<128x128xf32, #tpu.memory_space<vmem>>, vector<128x128xf32>
    %dot_general3A = arith.constant dense<0.000000e+00> : vector<400x128xf32>
    %dot_general3A_8 = tpu.matmul %get3A_1, %get3A_7, %dot_general3A {dimension_numbers = #tpu.dot_dimension_numbers<[1], [0], [0], [1], [0, 0, 1, 1], [], []>, transpose_lhs_hint = false} : vector<400x128xf32>, vector<128x128xf32>, vector<400x128xf32> -> vector<400x128xf32>
    %slice3A = vector.extract_strided_slice %get3A_4 {offsets = [0, 0], sizes = [1, 128], strides = [1, 1]} : vector<4x128xf32> to vector<1x128xf32>
    %add3A = vector.broadcast %slice3A : vector<1x128xf32> to vector<400x128xf32>
    %add3A_9 = arith.addf %dot_general3A_8, %add3A : vector<400x128xf32>
    %swap3A = arith.constant 0 : index
    %swap3A_10 = arith.constant 0 : index
    %swap3A_11 = vector.load %arg7[%swap3A, %swap3A_10] : memref<400x128xf32, #tpu.memory_space<vmem>>, vector<400x128xf32>
    tpu.vector_store %arg7[%swap3A, %swap3A_10], %add3A_9 {strides = array<i32>} : memref<400x128xf32, #tpu.memory_space<vmem>>, vector<400x128xf32>,
    %get3A_12 = arith.constant 0 : index
    %get3A_13 = arith.constant 0 : index
    %get3A_14 = vector.load %arg3[%get3A_12, %get3A_13] : memref<128x128xf32, #tpu.memory_space<vmem>>, vector<128x128xf32>
    %dot_general3A_15 = arith.constant dense<0.000000e+00> : vector<400x128xf32>
    %dot_general3A_16 = tpu.matmul %get3A_1, %get3A_14, %dot_general3A_15 {dimension_numbers = #tpu.dot_dimension_numbers<[1], [0], [0], [1], [0, 0, 1, 1], [], []>, transpose_lhs_hint = false} : vector<400x128xf32>, vector<128x128xf32>, vector<400x128xf32> -> vector<400x128xf32>
    %slice3A_17 = vector.extract_strided_slice %get3A_4 {offsets = [1, 0], sizes = [1, 128], strides = [1, 1]} : vector<4x128xf32> to vector<1x128xf32>
    %add3A_18 = vector.broadcast %slice3A_17 : vector<1x128xf32> to vector<400x128xf32>
    %add3A_19 = arith.addf %dot_general3A_16, %add3A_18 : vector<400x128xf32>
    %swap3A_20 = arith.constant 0 : index
    %swap3A_21 = arith.constant 0 : index
    %swap3A_22 = vector.load %arg8[%swap3A_20, %swap3A_21] : memref<400x128xf32, #tpu.memory_space<vmem>>, vector<400x128xf32>
    tpu.vector_store %arg8[%swap3A_20, %swap3A_21], %add3A_19 {strides = array<i32>} : memref<400x128xf32, #tpu.memory_space<vmem>>, vector<400x128xf32>,
    %get3A_23 = arith.constant 0 : index
    %get3A_24 = arith.constant 0 : index
    %get3A_25 = vector.load %arg4[%get3A_23, %get3A_24] : memref<128x128xf32, #tpu.memory_space<vmem>>, vector<128x128xf32>
    %dot_general3A_26 = arith.constant dense<0.000000e+00> : vector<400x128xf32>
    %dot_general3A_27 = tpu.matmul %get3A_1, %get3A_25, %dot_general3A_26 {dimension_numbers = #tpu.dot_dimension_numbers<[1], [0], [0], [1], [0, 0, 1, 1], [], []>, transpose_lhs_hint = false} : vector<400x128xf32>, vector<128x128xf32>, vector<400x128xf32> -> vector<400x128xf32>
    %slice3A_28 = vector.extract_strided_slice %get3A_4 {offsets = [2, 0], sizes = [1, 128], strides = [1, 1]} : vector<4x128xf32> to vector<1x128xf32>
    %add3A_29 = vector.broadcast %slice3A_28 : vector<1x128xf32> to vector<400x128xf32>
    %add3A_30 = arith.addf %dot_general3A_27, %add3A_29 : vector<400x128xf32>
    %swap3A_31 = arith.constant 0 : index
    %swap3A_32 = arith.constant 0 : index
    %swap3A_33 = vector.load %arg9[%swap3A_31, %swap3A_32] : memref<400x128xf32, #tpu.memory_space<vmem>>, vector<400x128xf32>
    tpu.vector_store %arg9[%swap3A_31, %swap3A_32], %add3A_30 {strides = array<i32>} : memref<400x128xf32, #tpu.memory_space<vmem>>, vector<400x128xf32>,
    %get3A_34 = arith.constant 0 : index
    %get3A_35 = arith.constant 0 : index
    %get3A_36 = vector.load %arg5[%get3A_34, %get3A_35] : memref<128x128xf32, #tpu.memory_space<vmem>>, vector<128x128xf32>
    %dot_general3A_37 = arith.constant dense<0.000000e+00> : vector<400x128xf32>
    %dot_general3A_38 = tpu.matmul %get3A_1, %get3A_36, %dot_general3A_37 {dimension_numbers = #tpu.dot_dimension_numbers<[1], [0], [0], [1], [0, 0, 1, 1], [], []>, transpose_lhs_hint = false} : vector<400x128xf32>, vector<128x128xf32>, vector<400x128xf32> -> vector<400x128xf32>
    %slice3A_39 = vector.extract_strided_slice %get3A_4 {offsets = [3, 0], sizes = [1, 128], strides = [1, 1]} : vector<4x128xf32> to vector<1x128xf32>
    %add3A_40 = vector.broadcast %slice3A_39 : vector<1x128xf32> to vector<400x128xf32>
    %add3A_41 = arith.addf %dot_general3A_38, %add3A_40 : vector<400x128xf32>
    %swap3A_42 = arith.constant 0 : index
    %swap3A_43 = arith.constant 0 : index
    %swap3A_44 = vector.load %arg10[%swap3A_42, %swap3A_43] : memref<400x128xf32, #tpu.memory_space<vmem>>, vector<400x128xf32>
    tpu.vector_store %arg10[%swap3A_42, %swap3A_43], %add3A_41 {strides = array<i32>} : memref<400x128xf32, #tpu.memory_space<vmem>>, vector<400x128xf32>,
    return
  }
  func.func @transform_0(%arg0: i32) -> (i32, i32) {
    %c0_i32 = arith.constant 0 : i32
    %c0_i32_0 = arith.constant 0 : i32
    return %arg0, %c0_i32 : i32, i32
  }
  func.func @transform_1(%arg0: i32) -> (i32, i32) {
    %c0_i32 = arith.constant 0 : i32
    %c0_i32_0 = arith.constant 0 : i32
    %c0_i32_1 = arith.constant 0 : i32
    return %c0_i32, %c0_i32_0 : i32, i32
  }
  func.func @transform_2(%arg0: i32) -> (i32, i32) {
    %c0_i32 = arith.constant 0 : i32
    %c0_i32_0 = arith.constant 0 : i32
    %c0_i32_1 = arith.constant 0 : i32
    return %c0_i32, %c0_i32_0 : i32, i32
  }
  func.func @transform_3(%arg0: i32) -> (i32, i32) {
    %c0_i32 = arith.constant 0 : i32
    %c0_i32_0 = arith.constant 0 : i32
    %c0_i32_1 = arith.constant 0 : i32
    return %c0_i32, %c0_i32_0 : i32, i32
  }
  func.func @transform_4(%arg0: i32) -> (i32, i32) {
    %c0_i32 = arith.constant 0 : i32
    %c0_i32_0 = arith.constant 0 : i32
    %c0_i32_1 = arith.constant 0 : i32
    return %c0_i32, %c0_i32_0 : i32, i32
  }
  func.func @transform_5(%arg0: i32) -> (i32, i32) {
    %c0_i32 = arith.constant 0 : i32
    %c0_i32_0 = arith.constant 0 : i32
    %c0_i32_1 = arith.constant 0 : i32
    return %c0_i32, %c0_i32_0 : i32, i32
  }
  func.func @transform_6(%arg0: i32) -> (i32, i32) {
    %c0_i32 = arith.constant 0 : i32
    %c0_i32_0 = arith.constant 0 : i32
    return %arg0, %c0_i32 : i32, i32
  }
  func.func @transform_7(%arg0: i32) -> (i32, i32) {
    %c0_i32 = arith.constant 0 : i32
    %c0_i32_0 = arith.constant 0 : i32
    return %arg0, %c0_i32 : i32, i32
  }
  func.func @transform_8(%arg0: i32) -> (i32, i32) {
    %c0_i32 = arith.constant 0 : i32
    %c0_i32_0 = arith.constant 0 : i32
    return %arg0, %c0_i32 : i32, i32
  }
  func.func @transform_9(%arg0: i32) -> (i32, i32) {
    %c0_i32 = arith.constant 0 : i32
    %c0_i32_0 = arith.constant 0 : i32
    return %arg0, %c0_i32 : i32, i32
  }
}

module attributes {stable_mosaic.version = 14 : i64} {
  func.func @_combine_body(%arg0: i32, %arg1: memref<2x400x128xf32, #tpu.memory_space<vmem>>, %arg2: memref<32x400x4xf32, #tpu.memory_space<vmem>>, %arg3: memref<400x128xf32, #tpu.memory_space<vmem>>, %arg4: memref<400x128xf32, #tpu.memory_space<vmem>>, %arg5: memref<2x128xf32, #tpu.memory_space<vmem>>, %arg6: memref<2x128xf32, #tpu.memory_space<vmem>>) attributes {dimension_semantics = [#tpu.dimension_semantics<arbitrary>], iteration_bounds = array<i64: 25>, scalar_prefetch = 0 : i64, scratch_operands = 1 : i64, tpu.core_type = #tpu.core_type<tc>, window_params = [{transform_indices = @transform_0, window_bounds = array<i64: 2, 400, 128>}, {transform_indices = @transform_1, window_bounds = array<i64: 32, 400, 4>}, {transform_indices = @transform_2, window_bounds = array<i64: 400, 128>}, {transform_indices = @transform_3, window_bounds = array<i64: 400, 128>}, {pipeline_mode = #tpu.pipeline_mode<synchronous>, transform_indices = @transform_4, window_bounds = array<i64: 2, 128>}]} {
    %get3A = arith.constant 0 : index
    %get3A_0 = arith.constant 0 : index
    %get3A_1 = arith.constant 0 : index
    %get3A_2 = vector.load %arg1[%get3A, %get3A_0, %get3A_1] : memref<2x400x128xf32, #tpu.memory_space<vmem>>, vector<2x400x128xf32>
    %slice3A = vector.extract_strided_slice %get3A_2 {offsets = [0, 0, 0], sizes = [1, 400, 128], strides = [1, 1, 1]} : vector<2x400x128xf32> to vector<1x400x128xf32>
    %squeeze3A = vector.shape_cast %slice3A : vector<1x400x128xf32> to vector<400x128xf32>
    %slice3A_3 = vector.extract_strided_slice %get3A_2 {offsets = [1, 0, 0], sizes = [1, 400, 128], strides = [1, 1, 1]} : vector<2x400x128xf32> to vector<1x400x128xf32>
    %squeeze3A_4 = vector.shape_cast %slice3A_3 : vector<1x400x128xf32> to vector<400x128xf32>
    %add3A = arith.addf %squeeze3A, %squeeze3A_4 : vector<400x128xf32>
    %get3A_5 = arith.constant 0 : index
    %get3A_6 = arith.constant 0 : index
    %get3A_7 = arith.constant 0 : index
    %get3A_8 = vector.load %arg2[%get3A_5, %get3A_6, %get3A_7] : memref<32x400x4xf32, #tpu.memory_space<vmem>>, vector<32x400x4xf32>
    %reduce_sum3A = arith.constant dense<0.000000e+00> : vector<400x4xf32>
    %reduce_sum3A_9 = vector.multi_reduction <add>, %get3A_8, %reduce_sum3A [0] : vector<32x400x4xf32> to vector<400x4xf32>
    %broadcast_in_dim3A = vector.shape_cast %reduce_sum3A_9 : vector<400x4xf32> to vector<400x4x1xf32>
    %broadcast_in_dim3A_10 = vector.shape_cast %broadcast_in_dim3A : vector<400x4x1xf32> to vector<400x4x1xf32>
    %broadcast_in_dim3A_11 = vector.broadcast %broadcast_in_dim3A_10 : vector<400x4x1xf32> to vector<400x4x32xf32>
    %reshape3A = vector.shape_cast %broadcast_in_dim3A_11 : vector<400x4x32xf32> to vector<400x128xf32>
    %add3A_12 = arith.constant 1.000000e-16 : f32
    %add3A_13 = vector.broadcast %add3A_12 : f32 to vector<400x128xf32>
    %add3A_14 = arith.addf %reshape3A, %add3A_13 : vector<400x128xf32>
    %div3A = arith.divf %add3A, %add3A_14 : vector<400x128xf32>
    %get3A_15 = arith.constant 0 : index
    %get3A_16 = arith.constant 0 : index
    %get3A_17 = vector.load %arg3[%get3A_15, %get3A_16] : memref<400x128xf32, #tpu.memory_space<vmem>>, vector<400x128xf32>
    %add3A_18 = arith.addf %div3A, %get3A_17 : vector<400x128xf32>
    %swap3A = arith.constant 0 : index
    %swap3A_19 = arith.constant 0 : index
    %swap3A_20 = vector.load %arg4[%swap3A, %swap3A_19] : memref<400x128xf32, #tpu.memory_space<vmem>>, vector<400x128xf32>
    tpu.vector_store %arg4[%swap3A, %swap3A_19], %add3A_18 {strides = array<i32>} : memref<400x128xf32, #tpu.memory_space<vmem>>, vector<400x128xf32>,
    %eq3A = arith.constant 0 : i32
    %eq3A_21 = arith.cmpi eq, %arg0, %eq3A : i32
    %convert_element_type3A = arith.extui %eq3A_21 : i1 to i32
    %cond3A = arith.constant 0 : i32
    %cond3A_22 = arith.cmpi ne, %convert_element_type3A, %cond3A : i32
    scf.if %cond3A_22 {
      %broadcast_in_dim3A_52 = arith.constant 0.000000e+00 : f32
      %broadcast_in_dim3A_53 = vector.broadcast %broadcast_in_dim3A_52 : f32 to vector<2x128xf32>
      %swap3A_54 = arith.constant 0 : index
      %swap3A_55 = arith.constant 0 : index
      %swap3A_56 = vector.load %arg6[%swap3A_54, %swap3A_55] : memref<2x128xf32, #tpu.memory_space<vmem>>, vector<2x128xf32>
      tpu.vector_store %arg6[%swap3A_54, %swap3A_55], %broadcast_in_dim3A_53 {strides = array<i32>} : memref<2x128xf32, #tpu.memory_space<vmem>>, vector<2x128xf32>,
    } else {
    }
    %get3A_23 = arith.constant 0 : index
    %get3A_24 = arith.constant 0 : index
    %get3A_25 = vector.load %arg6[%get3A_23, %get3A_24] : memref<2x128xf32, #tpu.memory_space<vmem>>, vector<1x128xf32>
    %get3A_26 = vector.shape_cast %get3A_25 : vector<1x128xf32> to vector<128xf32>
    %reduce_sum3A_27 = arith.constant dense<0.000000e+00> : vector<128xf32>
    %reduce_sum3A_28 = vector.multi_reduction <add>, %add3A_18, %reduce_sum3A_27 [0] : vector<400x128xf32> to vector<128xf32>
    %add3A_29 = arith.addf %get3A_26, %reduce_sum3A_28 : vector<128xf32>
    %swap3A_30 = arith.constant 0 : index
    %swap3A_31 = arith.constant 0 : index
    %swap3A_32 = vector.load %arg6[%swap3A_30, %swap3A_31] : memref<2x128xf32, #tpu.memory_space<vmem>>, vector<1x128xf32>
    %swap3A_33 = vector.shape_cast %swap3A_32 : vector<1x128xf32> to vector<128xf32>
    %swap3A_34 = vector.shape_cast %add3A_29 : vector<128xf32> to vector<1x128xf32>
    tpu.vector_store %arg6[%swap3A_30, %swap3A_31], %swap3A_34 {strides = array<i32>} : memref<2x128xf32, #tpu.memory_space<vmem>>, vector<1x128xf32>,
    %get3A_35 = arith.constant 1 : index
    %get3A_36 = arith.constant 0 : index
    %get3A_37 = vector.load %arg6[%get3A_35, %get3A_36] : memref<2x128xf32, #tpu.memory_space<vmem>>, vector<1x128xf32>
    %get3A_38 = vector.shape_cast %get3A_37 : vector<1x128xf32> to vector<128xf32>
    %mul3A = arith.mulf %add3A_18, %add3A_18 : vector<400x128xf32>
    %reduce_sum3A_39 = arith.constant dense<0.000000e+00> : vector<128xf32>
    %reduce_sum3A_40 = vector.multi_reduction <add>, %mul3A, %reduce_sum3A_39 [0] : vector<400x128xf32> to vector<128xf32>
    %add3A_41 = arith.addf %get3A_38, %reduce_sum3A_40 : vector<128xf32>
    %swap3A_42 = arith.constant 1 : index
    %swap3A_43 = arith.constant 0 : index
    %swap3A_44 = vector.load %arg6[%swap3A_42, %swap3A_43] : memref<2x128xf32, #tpu.memory_space<vmem>>, vector<1x128xf32>
    %swap3A_45 = vector.shape_cast %swap3A_44 : vector<1x128xf32> to vector<128xf32>
    %swap3A_46 = vector.shape_cast %add3A_41 : vector<128xf32> to vector<1x128xf32>
    tpu.vector_store %arg6[%swap3A_42, %swap3A_43], %swap3A_46 {strides = array<i32>} : memref<2x128xf32, #tpu.memory_space<vmem>>, vector<1x128xf32>,
    %eq3A_47 = arith.constant 24 : i32
    %eq3A_48 = arith.cmpi eq, %arg0, %eq3A_47 : i32
    %convert_element_type3A_49 = arith.extui %eq3A_48 : i1 to i32
    %cond3A_50 = arith.constant 0 : i32
    %cond3A_51 = arith.cmpi ne, %convert_element_type3A_49, %cond3A_50 : i32
    scf.if %cond3A_51 {
      %get3A_52 = arith.constant 0 : index
      %get3A_53 = arith.constant 0 : index
      %get3A_54 = vector.load %arg6[%get3A_52, %get3A_53] : memref<2x128xf32, #tpu.memory_space<vmem>>, vector<2x128xf32>
      %swap3A_55 = arith.constant 0 : index
      %swap3A_56 = arith.constant 0 : index
      %swap3A_57 = vector.load %arg5[%swap3A_55, %swap3A_56] : memref<2x128xf32, #tpu.memory_space<vmem>>, vector<2x128xf32>
      tpu.vector_store %arg5[%swap3A_55, %swap3A_56], %get3A_54 {strides = array<i32>} : memref<2x128xf32, #tpu.memory_space<vmem>>, vector<2x128xf32>,
    } else {
    }
    return
  }
  func.func @transform_0(%arg0: i32) -> (i32, i32, i32) {
    %c0_i32 = arith.constant 0 : i32
    %c0_i32_0 = arith.constant 0 : i32
    %c0_i32_1 = arith.constant 0 : i32
    return %c0_i32, %arg0, %c0_i32_0 : i32, i32, i32
  }
  func.func @transform_1(%arg0: i32) -> (i32, i32, i32) {
    %c0_i32 = arith.constant 0 : i32
    %c0_i32_0 = arith.constant 0 : i32
    %c0_i32_1 = arith.constant 0 : i32
    return %c0_i32, %arg0, %c0_i32_0 : i32, i32, i32
  }
  func.func @transform_2(%arg0: i32) -> (i32, i32) {
    %c0_i32 = arith.constant 0 : i32
    %c0_i32_0 = arith.constant 0 : i32
    return %arg0, %c0_i32 : i32, i32
  }
  func.func @transform_3(%arg0: i32) -> (i32, i32) {
    %c0_i32 = arith.constant 0 : i32
    %c0_i32_0 = arith.constant 0 : i32
    return %arg0, %c0_i32 : i32, i32
  }
  func.func @transform_4(%arg0: i32) -> (i32, i32) {
    %c0_i32 = arith.constant 0 : i32
    %c0_i32_0 = arith.constant 0 : i32
    %c0_i32_1 = arith.constant 0 : i32
    return %c0_i32, %c0_i32_0 : i32, i32
  }
}

module attributes {stable_mosaic.version = 14 : i64} {
  func.func @_bn_body(%arg0: i32, %arg1: memref<400x128xf32, #tpu.memory_space<vmem>>, %arg2: memref<2x128xf32, #tpu.memory_space<vmem>>, %arg3: memref<1x128xf32, #tpu.memory_space<vmem>>, %arg4: memref<1x128xf32, #tpu.memory_space<vmem>>, %arg5: memref<400x128xf32, #tpu.memory_space<vmem>>) attributes {dimension_semantics = [#tpu.dimension_semantics<arbitrary>], iteration_bounds = array<i64: 25>, scalar_prefetch = 0 : i64, scratch_operands = 0 : i64, tpu.core_type = #tpu.core_type<tc>, window_params = [{transform_indices = @transform_0, window_bounds = array<i64: 400, 128>}, {pipeline_mode = #tpu.pipeline_mode<synchronous>, transform_indices = @transform_1, window_bounds = array<i64: 2, 128>}, {pipeline_mode = #tpu.pipeline_mode<synchronous>, transform_indices = @transform_2, window_bounds = array<i64: 1, 128>}, {pipeline_mode = #tpu.pipeline_mode<synchronous>, transform_indices = @transform_3, window_bounds = array<i64: 1, 128>}, {transform_indices = @transform_4, window_bounds = array<i64: 400, 128>}]} {
    %get3A = arith.constant 0 : index
    %get3A_0 = arith.constant 0 : index
    %get3A_1 = vector.load %arg2[%get3A, %get3A_0] : memref<2x128xf32, #tpu.memory_space<vmem>>, vector<2x128xf32>
    %slice3A = vector.extract_strided_slice %get3A_1 {offsets = [0, 0], sizes = [1, 128], strides = [1, 1]} : vector<2x128xf32> to vector<1x128xf32>
    %mul3A = arith.constant 9.99999974E-5 : f32
    %mul3A_2 = vector.broadcast %mul3A : f32 to vector<1x128xf32>
    %mul3A_3 = arith.mulf %slice3A, %mul3A_2 : vector<1x128xf32>
    %slice3A_4 = vector.extract_strided_slice %get3A_1 {offsets = [1, 0], sizes = [1, 128], strides = [1, 1]} : vector<2x128xf32> to vector<1x128xf32>
    %mul3A_5 = arith.constant 9.99999974E-5 : f32
    %mul3A_6 = vector.broadcast %mul3A_5 : f32 to vector<1x128xf32>
    %mul3A_7 = arith.mulf %slice3A_4, %mul3A_6 : vector<1x128xf32>
    %mul3A_8 = arith.mulf %mul3A_3, %mul3A_3 : vector<1x128xf32>
    %sub3A = arith.subf %mul3A_7, %mul3A_8 : vector<1x128xf32>
    %add3A = arith.constant 9.99999974E-6 : f32
    %add3A_9 = vector.broadcast %add3A : f32 to vector<1x128xf32>
    %add3A_10 = arith.addf %sub3A, %add3A_9 : vector<1x128xf32>
    %rsqrt3A = math.rsqrt %add3A_10 : vector<1x128xf32>
    %get3A_11 = arith.constant 0 : index
    %get3A_12 = arith.constant 0 : index
    %get3A_13 = vector.load %arg1[%get3A_11, %get3A_12] : memref<400x128xf32, #tpu.memory_space<vmem>>, vector<400x128xf32>
    %sub3A_14 = vector.broadcast %mul3A_3 : vector<1x128xf32> to vector<400x128xf32>
    %sub3A_15 = arith.subf %get3A_13, %sub3A_14 : vector<400x128xf32>
    %get3A_16 = arith.constant 0 : index
    %get3A_17 = arith.constant 0 : index
    %get3A_18 = vector.load %arg3[%get3A_16, %get3A_17] : memref<1x128xf32, #tpu.memory_space<vmem>>, vector<1x128xf32>
    %mul3A_19 = arith.mulf %rsqrt3A, %get3A_18 : vector<1x128xf32>
    %mul3A_20 = vector.broadcast %mul3A_19 : vector<1x128xf32> to vector<400x128xf32>
    %mul3A_21 = arith.mulf %sub3A_15, %mul3A_20 : vector<400x128xf32>
    %get3A_22 = arith.constant 0 : index
    %get3A_23 = arith.constant 0 : index
    %get3A_24 = vector.load %arg4[%get3A_22, %get3A_23] : memref<1x128xf32, #tpu.memory_space<vmem>>, vector<1x128xf32>
    %add3A_25 = vector.broadcast %get3A_24 : vector<1x128xf32> to vector<400x128xf32>
    %add3A_26 = arith.addf %mul3A_21, %add3A_25 : vector<400x128xf32>
    %gt3A = arith.constant 0.000000e+00 : f32
    %gt3A_27 = vector.broadcast %gt3A : f32 to vector<400x128xf32>
    %gt3A_28 = arith.cmpf ogt, %add3A_26, %gt3A_27 : vector<400x128xf32>
    %mul3A_29 = arith.constant 0.00999999977 : f32
    %mul3A_30 = vector.broadcast %mul3A_29 : f32 to vector<400x128xf32>
    %mul3A_31 = arith.mulf %mul3A_30, %add3A_26 : vector<400x128xf32>
    %select_n3A = arith.select %gt3A_28, %add3A_26, %mul3A_31 : vector<400x128xi1>, vector<400x128xf32>
    %swap3A = arith.constant 0 : index
    %swap3A_32 = arith.constant 0 : index
    %swap3A_33 = vector.load %arg5[%swap3A, %swap3A_32] : memref<400x128xf32, #tpu.memory_space<vmem>>, vector<400x128xf32>
    tpu.vector_store %arg5[%swap3A, %swap3A_32], %select_n3A {strides = array<i32>} : memref<400x128xf32, #tpu.memory_space<vmem>>, vector<400x128xf32>,
    return
  }
  func.func @transform_0(%arg0: i32) -> (i32, i32) {
    %c0_i32 = arith.constant 0 : i32
    %c0_i32_0 = arith.constant 0 : i32
    return %arg0, %c0_i32 : i32, i32
  }
  func.func @transform_1(%arg0: i32) -> (i32, i32) {
    %c0_i32 = arith.constant 0 : i32
    %c0_i32_0 = arith.constant 0 : i32
    %c0_i32_1 = arith.constant 0 : i32
    return %c0_i32, %c0_i32_0 : i32, i32
  }
  func.func @transform_2(%arg0: i32) -> (i32, i32) {
    %c0_i32 = arith.constant 0 : i32
    %c0_i32_0 = arith.constant 0 : i32
    %c0_i32_1 = arith.constant 0 : i32
    return %c0_i32, %c0_i32_0 : i32, i32
  }
  func.func @transform_3(%arg0: i32) -> (i32, i32) {
    %c0_i32 = arith.constant 0 : i32
    %c0_i32_0 = arith.constant 0 : i32
    %c0_i32_1 = arith.constant 0 : i32
    return %c0_i32, %c0_i32_0 : i32, i32
  }
  func.func @transform_4(%arg0: i32) -> (i32, i32) {
    %c0_i32 = arith.constant 0 : i32
    %c0_i32_0 = arith.constant 0 : i32
    return %arg0, %c0_i32 : i32, i32
  }
}

</mosaic_0001>

<sc_bundles>
// kernel: kernel.10.cloned.1.call-start
scs
__scs_entry_jumppad:
0x0: {  	(pc) =	sbr.rel $0x88, $3  }
0x1: {  	(tag) =	ssettag $0x0;
	lr =	simm.s32 $0x1  }
0x2: {  	[smem:$0x3F93] =	sst lr;
	_ =	strace $0xD0000000  }
0x3: {  	_ = 	snop  }
0x4: {  	_ = 	snop  }
0x5: {  	_ = 	snop  }
0x6: {  	_ = 	snop  }
0x7: {  	_ = 	snop  }
__scs_overlays_trampoline_lowered:
0x8: {  	[smem:$0x3FA2] =	sst s0  }
0x9: {  	[smem:$0x3FA3] =	sst s1  }
0xa: {  	[smem:$0x3FA4] =	sst s2  }
0xb: {  	[smem:$0x3FA5] =	sst s3  }
0xc: {  	[smem:$0x3FA6] =	sst s4  }
0xd: {  	[smem:$0x3FA7] =	sst s5  }
0xe: {  	[smem:$0x3FA8] =	sst s6  }
0xf: {  	[smem:$0x3FA9] =	sst s7  }
0x10: {  	[smem:$0x3FAA] =	sst s8  }
0x11: {  	[smem:$0x3FAB] =	sst s9;
	s0 =	simm.s32 @!p0 $0x0  }
0x12: {  	s1 =	sld [smem:$0x3F91];
	s0 =	simm.s32 @p0 $0x1  }
0x13: {  	[smem:$0x3FAC] =	sst s0;
	s0 =	simm.s32 @!p1 $0x0  }
0x14: {  	s2 =	sld [smem:$0x3F90];
	s0 =	simm.s32 @p1 $0x1  }
0x15: {  	[smem:$0x3FAD] =	sst s0;
	s0 =	simm.s32 @!p2 $0x0  }
0x16: {  	s3 =	sld [smem:$0x3FDB];
	s0 =	simm.s32 @p2 $0x1  }
0x17: {  	s4 =	simm.s32 $0x1BF5;
	[smem:$0x3FAF] =	sst s0  }
0x18: {  	s0 =	sld [smem:$0x3F92];
	_ =	swait.ge [sflag:s4], $0x0  }
0x19: {  	s7 =	sld [smem:$0x3F93]  }
0x1a: {  	s8 =	sadd.s32 $0xFFFFE003, lr  }
0x1b: {  	s9 =	sadd.s32 $0xFFFFFEF7, lr;
	s5 =	simm.s32 $0xFFFFFFFF;
	p2 =	slt.u32 s8, $0xFFFFF086  }
0x1c: {  	p1 =	slt.u32 s9, $0xF7A;
	s5 =	simm.s32 @!p2 $0x0  }
0x1d: {  	s5 =	simm.s32 @p1 $0x1;
	p0 =	seq.s32 s7, s2  }
0x1e: {  	s7 =	smul.u32 @!p0 $0xF7A, s2;
	p2 =	seq.s32 @!p0 s5, $0x0  }
0x1f: {  	s9 =	smul.u32 $0xF7A, s1;
	s8 =	simm.s32 @!p0 $0x1BF5;
	p2 =	por !p2, p0  }
0x20: {  	[sflag:s8] =	ssyncset.s32 @!p0 $0xFFFFF086;
	s6 =	sadd.s32 @!p0 s3, s7;
	s7 =	simm.s32 @!p0 $0x108  }
0x21: {  	s3 =	sadd.s32 s3, s9;
	s6 =	sadd.s32 @!p0 $0x88, s6;
	s7 =	simm.s32 @p2 $0x1082  }
0x22: {  	[simem:s7], [sflag:s8] =	dma.local @!p0 [hbm:s6], $0xF7A  }
0x23: {  	s9 =	sor.u32 $0xD0000000, s2;
	s6 =	simm.s32 $0x108;
	_ =	swait.ge @!p0 [sflag:s8], $0x0  }
0x24: {  	s3 =	sadd.s32 $0x88, s3;
	s6 =	simm.s32 @!p1 $0x1082;
	[sflag:s4] =	ssyncset.s32 $0xFFFFF086  }
0x25: {  	[simem:s6], [sflag:s4] =	dma.local [hbm:s3], $0xF7A  }
0x26: {  	[smem:$0x3F93] =	sst s1;
	(tag) =	ssettag s2;
	_ =	strace s9  }
0x27: {  	s1 =	sld [smem:$0x3FA3]  }
0x28: {  	s2 =	sld [smem:$0x3FA4]  }
0x29: {  	s4 =	sld [smem:$0x3FA6]  }
0x2a: {  	p0 =	seq.s32 s5, $0x0;
	s5 =	sld [smem:$0x3FA7]  }
0x2b: {  	s6 =	sld [smem:$0x3FA8]  }
0x2c: {  	s7 =	sld [smem:$0x3FA9]  }
0x2d: {  	s3 =	simm.s32 $0x108;
	s8 =	sld [smem:$0x3FAA]  }
0x2e: {  	s3 =	simm.s32 @!p0 $0x1082;
	s9 =	sld [smem:$0x3FAB]  }
0x2f: {  	lr =	sadd.s32 s0, s3;
	s0 =	sld [smem:$0x3FA2]  }
0x30: {  	s3 =	sld [smem:$0x3FA5]  }
0x31: {  	[smem:$0x3FAE] =	sst s10  }
0x32: {  	s10 =	sld [smem:$0x3FAC];
	_ =	sdelay $0x3  }
0x33: {  	p0 =	seq.s32 s10, $0x1;
	s10 =	sld [smem:$0x3FAE];
	_ =	sdelay $0x3  }
0x34: {  	[smem:$0x3FAE] =	sst s10  }
0x35: {  	s10 =	sld [smem:$0x3FAD];
	_ =	sdelay $0x3  }
0x36: {  	p1 =	seq.s32 s10, $0x1;
	s10 =	sld [smem:$0x3FAE];
	_ =	sdelay $0x3  }
0x37: {  	[smem:$0x3FAE] =	sst s10  }
0x38: {  	s10 =	sld [smem:$0x3FAF]  }
0x39: {  	_ = 	snop;
	(pc) =	sbr.ind lr, $3  }
0x3a: {  	_ = 	snop  }
0x3b: {  	_ = 	snop  }
0x3c: {  	p2 =	seq.s32 s10, $0x1;
	s10 =	sld [smem:$0x3FAE]  }
0x3d: {  	_ =	shalt  }
0x3e: {  	_ =	shalt  }
0x3f: {  	_ =	shalt  }
0x40: {  	_ =	shalt  }
0x41: {  	_ =	shalt  }
0x42: {  	_ =	shalt  }
0x43: {  	_ =	shalt  }
0x44: {  	_ =	shalt  }
0x45: {  	_ =	shalt  }
0x46: {  	_ =	shalt  }
0x47: {  	_ =	shalt  }
0x48: {  	_ =	shalt  }
0x49: {  	_ =	shalt  }
0x4a: {  	_ =	shalt  }
0x4b: {  	_ =	shalt  }
0x4c: {  	_ =	shalt  }
0x4d: {  	_ =	shalt  }
0x4e: {  	_ =	shalt  }
0x4f: {  	_ =	shalt  }
0x50: {  	_ =	shalt  }
0x51: {  	_ =	shalt  }
0x52: {  	_ =	shalt  }
0x53: {  	_ =	shalt  }
0x54: {  	_ =	shalt  }
0x55: {  	_ =	shalt  }
0x56: {  	_ =	shalt  }
0x57: {  	_ =	shalt  }
0x58: {  	_ =	shalt  }
0x59: {  	_ =	shalt  }
0x5a: {  	_ =	shalt  }
0x5b: {  	_ =	shalt  }
0x5c: {  	_ =	shalt  }
0x5d: {  	_ =	shalt  }
0x5e: {  	_ =	shalt  }
0x5f: {  	_ =	shalt  }
0x60: {  	_ =	shalt  }
0x61: {  	_ =	shalt  }
0x62: {  	_ =	shalt  }
0x63: {  	_ =	shalt  }
0x64: {  	_ =	shalt  }
0x65: {  	_ =	shalt  }
0x66: {  	_ =	shalt  }
0x67: {  	_ =	shalt  }
0x68: {  	_ =	shalt  }
0x69: {  	_ =	shalt  }
0x6a: {  	_ =	shalt  }
0x6b: {  	_ =	shalt  }
0x6c: {  	_ =	shalt  }
0x6d: {  	_ =	shalt  }
0x6e: {  	_ =	shalt  }
0x6f: {  	_ =	shalt  }
0x70: {  	_ =	shalt  }
0x71: {  	_ =	shalt  }
0x72: {  	_ =	shalt  }
0x73: {  	_ =	shalt  }
0x74: {  	_ =	shalt  }
0x75: {  	_ =	shalt  }
0x76: {  	_ =	shalt  }
0x77: {  	_ =	shalt  }
0x78: {  	_ =	shalt  }
0x79: {  	_ =	shalt  }
0x7a: {  	_ =	shalt  }
0x7b: {  	_ =	shalt  }
0x7c: {  	_ =	shalt  }
0x7d: {  	_ =	shalt  }
0x7e: {  	_ =	shalt  }
0x7f: {  	_ =	shalt  }
0x80: {  	_ =	shalt  }
0x81: {  	_ =	shalt  }
0x82: {  	_ =	shalt  }
0x83: {  	_ =	shalt  }
0x84: {  	_ =	shalt  }
0x85: {  	_ =	shalt  }
0x86: {  	_ =	shalt  }
0x87: {  	_ =	shalt  }
.Lfunc_end0:
.L_simem_size_0:
called_computation.1_lowered:
.L_overlay_start_0:
0x88: {  	s2 =	sld [smem:$0x3FD9]  }
0x89: {  	s3 =	sld [smem:$0x3FFE];
	_ =	sdelay $0x1  }
0x8a: {  	s1 =	srdreg.scid  }
0x8b: {  	s0 =	sand.u32 $0x1, s1  }
0x8c: {  	s16 =	sshll.u32 s0, $0xA;
	s2 =	sadd.s32 s3, s2  }
0x8d: {  	s2 =	sadd.s32 s2, s16  }
0x8e: {  	[smem:$0x3FBA] =	sst s2  }
0x8f: {  	_ = 	snop  }
0x90: {  	(tm) =	ssettm $0x1  }
0x91: {  	s17 =	sld [smem:$0x3FFB];
	_ =	sdelay $0x3  }
0x92: {  	_ =	strace s17  }
0x93: {  	s2 =	sld [smem:$0x3FFC];
	_ =	sdelay $0x3  }
0x94: {  	_ =	strace s2  }
0x95: {  	s2 =	sld [smem:$0x3FFD];
	_ =	sdelay $0x3  }
0x96: {  	_ =	strace s2  }
0x97: {  	_ =	strace $0x8FFFFFFF  }
0x98: {  	s18 =	sld [smem:$0x3FDB];
	_ =	sdelay $0x1  }
0x99: {  	s19 =	simm.s32 $_scs_section_size  }
0x9a: {  	s4 =	simm.s32 $_size__tile_overlayer_lowered;
	s5 =	simm.s32 $_tile_overlayer_lowered  }
0x9b: {  	s22 =	simm.s32 $0x1BFF;
	s21 =	sshll.u32 s5, $0x1;
	s2 =	sadd.s32 s19, s18  }
0x9c: {  	s6 =	simm.s32 $0x0;
	s20 =	sshll.u32 s4, $0x1;
	s4 =	sadd.s32 s21, s2  }
0x9d: {  	[timem:s6], [sflag:s22] =	dma.local [hbm:s4], s20  }
0x9e: {  	_ =	swait.ge [sflag:s22], s20  }
0x9f: {  	s3 =	ssub.s32 $0x0, s20;
	[sflag:s22] =	ssyncset.done $0x0  }
0xa0: {  	[sflag:s22] =	ssyncadd.s32 s3;
	_ =	sdelay $0x1  }
0xa1: {  	s23 =	simm.s32 $0x1B8B  }
0xa2: {  	_ =	swait.ge [sflag:s23], $0x1  }
0xa3: {  	[sflag:s23] =	ssyncset.done $0x0  }
0xa4: {  	s25 =	simm.s32 $0x1B8E;
	s24 =	sld [smem:$0x3FFE];
	[sflag:s23] =	ssyncadd.s32 $0xFFFFFFFF  }
0xa5: {  	s26 =	simm.s32 $execute0_lowered;
	[smem:$0x3FD2] =	sst s25  }
0xa6: {  	s4 =	sshll.u32 s26, $0x1;
	_ =	strace $0x80000049;
	[dreg:$0x1] =	wrdreg $0xFFFFFFFF  }
0xa7: {  	s28 =	simm.s32 $_size_execute0_lowered;
	s2 =	sadd.s32 s2, s4;
	[dreg:$0x0] =	wrdreg $0x0  }
0xa8: {  	s4 =	sshll.u32 s28, $0x1;
	[dreg:$0x2] =	wrdreg s2  }
0xa9: {  	[dreg:$0x3] =	wrdreg s4  }
0xaa: {  	[dreg:$0x4] =	wrdreg $0xC0  }
0xab: {  	_ =	task [dreg:s6], $0x5FFFF  }
0xac: {  	[dreg:$0x1] =	wrdreg $0xFFFFFFFF  }
0xad: {  	[dreg:$0x0] =	wrdreg $0x60  }
0xae: {  	[dreg:$0x2] =	wrdreg s24  }
0xaf: {  	[dreg:$0x3] =	wrdreg $0x9  }
0xb0: {  	_ =	task.clear_ibuf [dreg:s6], $0x4FFFF;
	_ =	strace $0x90000049  }
0xb1: {  	s29 =	simm.s32 $0x9;
	_ =	strace $0x8000004B  }
0xb2: {  	_ =	swait.ge [sflag:s29], $0x1  }
0xb3: {  	[sflag:s29] =	ssyncadd.s32 $0xFFFFFFFF  }
0xb4: {  	_ =	strace $0x9000004B  }
0xb5: {  	_ =	sfence  }
0xb6: {  	s30 =	sld [smem:$0x0];
	_ =	sdelay $0x2  }
0xb7: {  	s31 =	sshll.u32 s1, $0xD;
	s1 =	sshrl.u32 s1, $0x2  }
0xb8: {  	s3 =	sand.u32 $0x4000, s31;
	s1 =	sadd.s32 s1, s30  }
0xb9: {  	s0 =	sor.u32 s3, s0;
	s1 =	sshll.u32 s1, $0x11  }
0xba: {  	s0 =	sor.u32 s1, s0  }
0xbb: {  	s0 =	sadd.s32 $0x8F2B, s0  }
0xbc: {  	[sflag:s0] =	ssyncadd.remote.s32 $0x1  }
0xbd: {  	_ =	sfence.sel $0xFFFF  }
0xbe: {  	[dreg:$0x0] =	wrdreg $0xFFFFFFFF;
	(pc) =	sbr.abs _section_cstart, $3  }
0xbf: {  	[dreg:$0x1] =	wrdreg $0xFFFFFFFF  }
0xc0: {  	_ =	task.clear_ibuf [dreg:s6], $0x2FFFF;
	_ =	strace $0x9FFFFFFF  }
0xc1: {  	(tm) =	ssettm $0x7FFFFFFF  }
tec
execute0_lowered:
.L_overlay_start_1:
0x0: {  	(tag) =	ssettag $0x1  }
0x1: {  	s6 =	rddreg [dreg:$0x0]  }
0x2: {  	s1 =	srdreg.scid;
	s0 =	rddreg [dreg:$0x1];
	s2 =	simm.s32 $0x0  }
0x3: {  	s11 =	simm.s32 $0xA000;
	s12 =	simm.s32 $0x0;
	s4 =	sand.u32 $0x1, s1  }
0x4: {  	[smem:$0x7FF] =	sst s2;
	s1 =	stileid.u32;
	s3 =	sshll.u32 s4, $0x4  }
0x5: {  	s5 =	sadd.s32 $0x77000, s6;
	s9 =	ssub.s32 $0x2, s4;
	s7 =	sor.u32 s1, s3  }
0x6: {  	_ =	strace $0x8000004A;
	s10 =	sshrl.u32 s9, $0x1;
	s8 =	smul.u32 $0x1400, s7  }
0x7: {  	s4 =	sadd.s32 $0xB200, s6;
	s3 =	sadd.s32 $0xEF000, s6;
	s9 =	ssub.s32 s9, s10  }
0x8: {  	v0 =	vlaneseq.u32;
	s10 =	simm.s32 $0xA180;
	s8 =	sadd.s32 s8, s6;
	s6 =	smul.u32 $0x2710, s7  }
0x9: {  	v0 =	vand.u32 $0x3, v0;
	s7 =	sadd.s32 $0x15000, s8;
	s8 =	smax.u32 s9, $0x1;
	s9 =	simm.s32 $0x1  }
.LBB2_1:
0xa: {  	[tilespmem:s2], [sflag:$0x1] =	stream.linear.gather [hbm4b:s5+s2], $0xA000, $0x38;
	[tilespmem:$0xA200] =	vst v63  }
0xb: {  	_ =	swait.ge [sflag:s9], $0xA000  }
0xc: {  	[sflag:s9] =	ssyncset.done $0x0  }
0xd: {  	s13 =	simm.s32 $0x0;
	[sflag:s9] =	ssyncadd.s32 $0xFFFF6000  }
.LBB2_2:
0xe: {  	s14 =	smul.u32 $0x50, s13;
	_ =	sdelay $0x1  }
0xf: {  	s14 =	sadd.s32 s6, s14  }
0x10: {  	s15 =	sshrl.u32 s14, $0x3  }
0x11: {  	s16 =	simm.s32 $0x0;
	s15 =	sadd.s32 s4, s15  }
0x12: {  	[tilespmem:s10], [sflag:$0x1] =	stream.linear.gather [hbm4b:s15+s16], $0x50, $0x38;
	[tilespmem:$0xA200] =	vst v63  }
0x13: {  	_ =	swait.ge [sflag:s9], $0x50  }
0x14: {  	s24 =	simm.s32 $0x5;
	s14 =	sshrl.u32 s14, $0x1;
	[sflag:s9] =	ssyncset.done $0x0  }
0x15: {  	s25 =	simm.s32 $0x1;
	v1 =	vmov s16;
	s14 =	sadd.s32 s3, s14;
	[sflag:s9] =	ssyncadd.s32 $0xFFFFFFB0  }
0x16: {  	v2 =	vmov s24;
	[tilespmem:s11], [sflag:$0x1] =	stream.linear.gather [hbm4b:s14+s16], $0x140, $0x38;
	[tilespmem:$0xA200] =	vst v63  }
0x17: {  	v3 =	vmov s25;
	v4 =	vshll.u32 v2, $0x2;
	_ =	swait.ge [sflag:s9], $0x140  }
0x18: {  	s26 =	simm.s32 $0x4;
	s28 =	simm.s32 $0x3;
	v4 =	vor.u32 v0, v4;
	[sflag:s9] =	ssyncset.done $0x0  }
0x19: {  	s29 =	simm.s32 $0x6;
	v5 =	vmov s28;
	v6 =	vmov s26;
	[sflag:s9] =	ssyncadd.s32 $0xFFFFFEC0  }
0x1a: {  	v8 =	vmov s29;
	v7 =	vshll.u32 v5, $0x2;
	v9 =	vld.idx.msk [tilespmem:v1+s10+$0x0], $0xffff  }
0x1b: {  	v10 =	vshll.u32 v3, $0x2;
	v7 =	vor.u32 v0, v7;
	v2 =	vld.idx.msk [tilespmem:v2+s10+$0x0], $0xffff  }
0x1c: {  	s30 =	simm.s32 $0x7;
	v10 =	vor.u32 v0, v10;
	v3 =	vld.idx.msk [tilespmem:v3+s10+$0x0], $0xffff  }
0x1d: {  	s31 =	simm.s32 $0x2;
	v11 =	vmov s30;
	v12 =	vld.idx.msk [tilespmem:v4+s11+$0x0], $0xffff  }
0x1e: {  	v14 =	vmov s31;
	v1 =	vshll.u32 v1, $0x2;
	v13 =	vld.idx.msk [tilespmem:v6+s10+$0x0], $0xffff  }
0x1f: {  	v15 =	vld.idx.msk [tilespmem:v8+s10+$0x0], $0xffff;
	v4 =	vor.u32 v0, v1  }
0x20: {  	v16 =	vshll.u32 v11, $0x2;
	v1 =	vld.idx.msk [tilespmem:v7+s11+$0x0], $0xffff  }
0x21: {  	v6 =	vshll.u32 v6, $0x2;
	v7 =	vld.idx.msk [tilespmem:v10+s11+$0x0], $0xffff;
	v10 =	vor.u32 v0, v16  }
0x22: {  	v63 =	vshll.u32 v14, $0x2;
	v11 =	vld.idx.msk [tilespmem:v11+s10+$0x0], $0xffff;
	v6 =	vor.u32 v0, v6  }
0x23: {  	v8 =	vshll.u32 v8, $0x2;
	v14 =	vld.idx.msk [tilespmem:v14+s10+$0x0], $0xffff;
	v16 =	vor.u32 v0, v63  }
0x24: {  	v3 =	vshll.u32 v3, $0x2;
	v17 =	vld.idx.msk [tilespmem:v4+s11+$0x0], $0xffff;
	v4 =	vor.u32 v0, v8  }
0x25: {  	v18 =	vld.idx.msk [tilespmem:v5+s10+$0x0], $0xffff;
	v2 =	vshll.u32 v2, $0x2;
	v8 =	vor.u32 v0, v3  }
0x26: {  	v5 =	vshll.u32 v9, $0x2;
	v19 =	vor.u32 v0, v2;
	v3 =	vld.idx.msk [tilespmem:v10+s11+$0x0], $0xffff  }
0x27: {  	v20 =	vor.u32 v0, v5;
	v5 =	vld.idx.msk [tilespmem:v6+s11+$0x0], $0xffff;
	v6 =	vshll.u32 v13, $0x2  }
0x28: {  	v9 =	vshll.u32 v11, $0x2;
	v2 =	vld.idx.msk [tilespmem:v16+s11+$0x0], $0xffff;
	v10 =	vor.u32 v0, v6  }
0x29: {  	v11 =	vshll.u32 v15, $0x2;
	v9 =	vor.u32 v0, v9;
	v4 =	vld.idx.msk [tilespmem:v4+s11+$0x0], $0xffff  }
0x2a: {  	v6 =	vshll.u32 v14, $0x2;
	[tilespmem:v8+s2+$0x0] =	vst.idx.add.f32.msk $0xf, v7;
	v8 =	vor.u32 v0, v11  }
0x2b: {  	v6 =	vor.u32 v0, v6;
	v7 =	vshll.u32 v18, $0x2;
	[tilespmem:v19+s2+$0x0] =	vst.idx.add.f32.msk $0xf, v12  }
0x2c: {  	s14 =	simm.s32 $0x8;
	[tilespmem:v20+s2+$0x0] =	vst.idx.add.f32.msk $0xf, v17;
	v7 =	vor.u32 v0, v7  }
.LBB2_3:
0x2d: {  	v11 =	vmov s14;
	s15 =	sadd.s32 $0x1, s14;
	s16 =	sadd.s32 $0x4, s14;
	s17 =	sadd.s32 $0x5, s14;
	[tilespmem:v10+s2+$0x0] =	vst.idx.add.f32.msk $0xf, v5  }
0x2e: {  	s18 =	sadd.s32 $0x7, s14;
	v5 =	vshll.u32 v11, $0x2;
	v10 =	vmov s15;
	s15 =	sadd.s32 $0x2, s14;
	v12 =	vmov s17;
	s17 =	sadd.s32 $0x6, s14;
	[tilespmem:v9+s2+$0x0] =	vst.idx.add.f32.msk $0xf, v3  }
0x2f: {  	p0 =	slt.u32 s14, $0x48;
	v3 =	vor.u32 v0, v5;
	v5 =	vmov s15;
	s15 =	sadd.s32 $0x3, s14;
	v9 =	vshll.u32 v12, $0x2;
	s14 =	sadd.s32 $0x8, s14;
	[tilespmem:v8+s2+$0x0] =	vst.idx.add.f32.msk $0xf, v4  }
0x30: {  	v8 =	vmov s16;
	v4 =	vmov s15;
	v9 =	vor.u32 v0, v9;
	[tilespmem:v6+s2+$0x0] =	vst.idx.add.f32.msk $0xf, v2  }
0x31: {  	v13 =	vmov s17;
	v2 =	vshll.u32 v5, $0x2;
	v6 =	vshll.u32 v4, $0x2;
	[tilespmem:v7+s2+$0x0] =	vst.idx.add.f32.msk $0xf, v1  }
0x32: {  	v7 =	vshll.u32 v10, $0x2;
	v1 =	vld.idx.msk [tilespmem:v11+s10+$0x0], $0xffff;
	v6 =	vor.u32 v0, v6;
	v11 =	vshll.u32 v8, $0x2  }
0x33: {  	v15 =	vmov s18;
	v14 =	vshll.u32 v13, $0x2;
	v7 =	vor.u32 v0, v7;
	v12 =	vld.idx.msk [tilespmem:v12+s10+$0x0], $0xffff  }
0x34: {  	v16 =	vshll.u32 v15, $0x2;
	v10 =	vld.idx.msk [tilespmem:v10+s10+$0x0], $0xffff  }
0x35: {  	v2 =	vor.u32 v0, v2;
	v17 =	vld.idx.msk [tilespmem:v9+s11+$0x0], $0xffff  }
0x36: {  	v8 =	vld.idx.msk [tilespmem:v8+s10+$0x0], $0xffff  }
0x37: {  	v9 =	vor.u32 v0, v11;
	v11 =	vld.idx.msk [tilespmem:v13+s10+$0x0], $0xffff  }
0x38: {  	v13 =	vshll.u32 v1, $0x2;
	v1 =	vld.idx.msk [tilespmem:v6+s11+$0x0], $0xffff  }
0x39: {  	v13 =	vor.u32 v0, v13;
	v6 =	vld.idx.msk [tilespmem:v7+s11+$0x0], $0xffff;
	v7 =	vor.u32 v0, v16  }
0x3a: {  	v15 =	vld.idx.msk [tilespmem:v15+s10+$0x0], $0xffff  }
0x3b: {  	v16 =	vld.idx.msk [tilespmem:v3+s11+$0x0], $0xffff  }
0x3c: {  	v14 =	vor.u32 v0, v14;
	v3 =	vshll.u32 v10, $0x2;
	v18 =	vld.idx.msk [tilespmem:v5+s10+$0x0], $0xffff  }
0x3d: {  	v19 =	vor.u32 v0, v3;
	v3 =	vshll.u32 v12, $0x2;
	v11 =	vshll.u32 v11, $0x2;
	v20 =	vld.idx.msk [tilespmem:v4+s10+$0x0], $0xffff  }
0x3e: {  	v12 =	vor.u32 v0, v3;
	v3 =	vld.idx.msk [tilespmem:v7+s11+$0x0], $0xffff  }
0x3f: {  	v4 =	vshll.u32 v8, $0x2;
	v5 =	vld.idx.msk [tilespmem:v9+s11+$0x0], $0xffff  }
.Ltmp0:
0x40: {  	v10 =	vor.u32 v0, v4;
	v7 =	vshll.u32 v15, $0x2;
	v2 =	vld.idx.msk [tilespmem:v2+s11+$0x0], $0xffff;
	(pc) =	sbr.rel @p0 .LBB2_3-.Ltmp0, $4  }
0x41: {  	v9 =	vor.u32 v0, v7;
	v4 =	vld.idx.msk [tilespmem:v14+s11+$0x0], $0xffff  }
0x42: {  	v8 =	vor.u32 v0, v11;
	[tilespmem:v19+s2+$0x0] =	vst.idx.add.f32.msk $0xf, v6;
	v6 =	vshll.u32 v18, $0x2  }
0x43: {  	v7 =	vshll.u32 v20, $0x2;
	v6 =	vor.u32 v0, v6;
	[tilespmem:v12+s2+$0x0] =	vst.idx.add.f32.msk $0xf, v17  }
0x44: {  	v7 =	vor.u32 v0, v7;
	[tilespmem:v13+s2+$0x0] =	vst.idx.add.f32.msk $0xf, v16  }
0x45: {  	_ =	sdelay $0x1  }
0x46: {  	s13 =	sadd.s32 $0x1, s13  }
0x47: {  	p0 =	sne.s32 s13, $0x7D  }
.Ltmp1:
0x48: {  	[tilespmem:v10+s2+$0x0] =	vst.idx.add.f32.msk $0xf, v5;
	(pc) =	sbr.rel @p0 .LBB2_2-.Ltmp1, $4  }
0x49: {  	[tilespmem:v9+s2+$0x0] =	vst.idx.add.f32.msk $0xf, v3  }
0x4a: {  	[tilespmem:v6+s2+$0x0] =	vst.idx.add.f32.msk $0xf, v2  }
0x4b: {  	[tilespmem:v7+s2+$0x0] =	vst.idx.add.f32.msk $0xf, v1  }
0x4c: {  	[tilespmem:v8+s2+$0x0] =	vst.idx.add.f32.msk $0xf, v4  }
0x4d: {  	s12 =	sadd.s32 $0x1, s12  }
0x4e: {  	p0 =	sne.s32 s12, s8  }
.Ltmp2:
0x4f: {  	_ = 	snop;
	(pc) =	sbr.rel @p0 .LBB2_1-.Ltmp2, $4  }
0x50: {  	[hbm4b:s7+s2] =	stream.linear.scatter [tilespmem:s2], [sflag:$0x1], $0xA000, $0x38;
	[tilespmem:$0xA200] =	vst v63  }
0x51: {  	_ =	swait.ge [sflag:s9], $0xA000  }
0x52: {  	[sflag:s9] =	ssyncset.done $0x0  }
0x53: {  	[sflag:s9] =	ssyncadd.s32 $0xFFFF6000  }
0x54: {  	_ =	sfence.sel $0x180000  }
0x55: {  	[bflag:$0x0] =	sbarrier.arrive $0xFFFF  }
0x56: {  	p0 =	sne.s32 s1, $0x0;
	_ =	strace $0x9000004A  }
0x57: {  	s0 =	sadd.s32 @!p0 $0x100000, s0;
	[bflag:$0x2] =	sbarrier.arrive $0xFFFF  }
0x58: {  	[sflag:s0] =	ssyncadd.tile.s32 @!p0 $0x1;
	_ =	shalt  }
.Lfunc_end2:
_tile_overlayer_lowered:
.L_overlay_start_2:
0x59: {  	(tag) =	ssettag $0x2  }
0x5a: {  	s0 =	rddreg [dreg:$0x0];
	s2 =	stileid.u32  }
0x5b: {  	s1 =	rddreg [dreg:$0x1];
	p0 =	sne.s32 s2, $0x0  }
0x5c: {  	s3 =	rddreg [dreg:$0x2];
	[bflag:$0x3] =	sbarrier.arrive $0xFFFF;
	s2 =	simm.s32 @!p0 $0x1C01  }
0x5d: {  	[timem:s3], [sflag:s2] =	dma.local @!p0 [hbm:s0], s1  }
0x5e: {  	s0 =	simm.s32 @!p0 $0x1  }
0x5f: {  	_ =	swait.ge @!p0 [sflag:s0], s1  }
0x60: {  	s1 =	ssub.s32 @!p0 $0x0, s1;
	[sflag:s0] =	ssyncset.done @!p0 $0x0  }
0x61: {  	[sflag:s0] =	ssyncadd.s32 @!p0 s1  }
0x62: {  	[bflag:$0x3] =	sbarrier.arrive $0xFFFF  }
0x63: {  	_ =	shalt  }

// kernel: kernel.7.cloned.1.call-start
scs
__scs_entry_jumppad:
0x0: {  	(pc) =	sbr.rel $0x88, $3  }
0x1: {  	(tag) =	ssettag $0x0;
	lr =	simm.s32 $0x1  }
0x2: {  	[smem:$0x3F93] =	sst lr;
	_ =	strace $0xD0000000  }
0x3: {  	_ = 	snop  }
0x4: {  	_ = 	snop  }
0x5: {  	_ = 	snop  }
0x6: {  	_ = 	snop  }
0x7: {  	_ = 	snop  }
__scs_overlays_trampoline_lowered:
0x8: {  	[smem:$0x3FA2] =	sst s0  }
0x9: {  	[smem:$0x3FA3] =	sst s1  }
0xa: {  	[smem:$0x3FA4] =	sst s2  }
0xb: {  	[smem:$0x3FA5] =	sst s3  }
0xc: {  	[smem:$0x3FA6] =	sst s4  }
0xd: {  	[smem:$0x3FA7] =	sst s5  }
0xe: {  	[smem:$0x3FA8] =	sst s6  }
0xf: {  	[smem:$0x3FA9] =	sst s7  }
0x10: {  	[smem:$0x3FAA] =	sst s8  }
0x11: {  	[smem:$0x3FAB] =	sst s9;
	s0 =	simm.s32 @!p0 $0x0  }
0x12: {  	s1 =	sld [smem:$0x3F91];
	s0 =	simm.s32 @p0 $0x1  }
0x13: {  	[smem:$0x3FAC] =	sst s0;
	s0 =	simm.s32 @!p1 $0x0  }
0x14: {  	s2 =	sld [smem:$0x3F90];
	s0 =	simm.s32 @p1 $0x1  }
0x15: {  	[smem:$0x3FAD] =	sst s0;
	s0 =	simm.s32 @!p2 $0x0  }
0x16: {  	s3 =	sld [smem:$0x3FDB];
	s0 =	simm.s32 @p2 $0x1  }
0x17: {  	s4 =	simm.s32 $0x1BF5;
	[smem:$0x3FAF] =	sst s0  }
0x18: {  	s0 =	sld [smem:$0x3F92];
	_ =	swait.ge [sflag:s4], $0x0  }
0x19: {  	s7 =	sld [smem:$0x3F93]  }
0x1a: {  	s8 =	sadd.s32 $0xFFFFE003, lr  }
0x1b: {  	s9 =	sadd.s32 $0xFFFFFEF7, lr;
	s5 =	simm.s32 $0xFFFFFFFF;
	p2 =	slt.u32 s8, $0xFFFFF086  }
0x1c: {  	p1 =	slt.u32 s9, $0xF7A;
	s5 =	simm.s32 @!p2 $0x0  }
0x1d: {  	s5 =	simm.s32 @p1 $0x1;
	p0 =	seq.s32 s7, s2  }
0x1e: {  	s7 =	smul.u32 @!p0 $0xF7A, s2;
	p2 =	seq.s32 @!p0 s5, $0x0  }
0x1f: {  	s9 =	smul.u32 $0xF7A, s1;
	s8 =	simm.s32 @!p0 $0x1BF5;
	p2 =	por !p2, p0  }
0x20: {  	[sflag:s8] =	ssyncset.s32 @!p0 $0xFFFFF086;
	s6 =	sadd.s32 @!p0 s3, s7;
	s7 =	simm.s32 @!p0 $0x108  }
0x21: {  	s3 =	sadd.s32 s3, s9;
	s6 =	sadd.s32 @!p0 $0x88, s6;
	s7 =	simm.s32 @p2 $0x1082  }
0x22: {  	[simem:s7], [sflag:s8] =	dma.local @!p0 [hbm:s6], $0xF7A  }
0x23: {  	s9 =	sor.u32 $0xD0000000, s2;
	s6 =	simm.s32 $0x108;
	_ =	swait.ge @!p0 [sflag:s8], $0x0  }
0x24: {  	s3 =	sadd.s32 $0x88, s3;
	s6 =	simm.s32 @!p1 $0x1082;
	[sflag:s4] =	ssyncset.s32 $0xFFFFF086  }
0x25: {  	[simem:s6], [sflag:s4] =	dma.local [hbm:s3], $0xF7A  }
0x26: {  	[smem:$0x3F93] =	sst s1;
	(tag) =	ssettag s2;
	_ =	strace s9  }
0x27: {  	s1 =	sld [smem:$0x3FA3]  }
0x28: {  	s2 =	sld [smem:$0x3FA4]  }
0x29: {  	s4 =	sld [smem:$0x3FA6]  }
0x2a: {  	p0 =	seq.s32 s5, $0x0;
	s5 =	sld [smem:$0x3FA7]  }
0x2b: {  	s6 =	sld [smem:$0x3FA8]  }
0x2c: {  	s7 =	sld [smem:$0x3FA9]  }
0x2d: {  	s3 =	simm.s32 $0x108;
	s8 =	sld [smem:$0x3FAA]  }
0x2e: {  	s3 =	simm.s32 @!p0 $0x1082;
	s9 =	sld [smem:$0x3FAB]  }
0x2f: {  	lr =	sadd.s32 s0, s3;
	s0 =	sld [smem:$0x3FA2]  }
0x30: {  	s3 =	sld [smem:$0x3FA5]  }
0x31: {  	[smem:$0x3FAE] =	sst s10  }
0x32: {  	s10 =	sld [smem:$0x3FAC];
	_ =	sdelay $0x3  }
0x33: {  	p0 =	seq.s32 s10, $0x1;
	s10 =	sld [smem:$0x3FAE];
	_ =	sdelay $0x3  }
0x34: {  	[smem:$0x3FAE] =	sst s10  }
0x35: {  	s10 =	sld [smem:$0x3FAD];
	_ =	sdelay $0x3  }
0x36: {  	p1 =	seq.s32 s10, $0x1;
	s10 =	sld [smem:$0x3FAE];
	_ =	sdelay $0x3  }
0x37: {  	[smem:$0x3FAE] =	sst s10  }
0x38: {  	s10 =	sld [smem:$0x3FAF]  }
0x39: {  	_ = 	snop;
	(pc) =	sbr.ind lr, $3  }
0x3a: {  	_ = 	snop  }
0x3b: {  	_ = 	snop  }
0x3c: {  	p2 =	seq.s32 s10, $0x1;
	s10 =	sld [smem:$0x3FAE]  }
0x3d: {  	_ =	shalt  }
0x3e: {  	_ =	shalt  }
0x3f: {  	_ =	shalt  }
0x40: {  	_ =	shalt  }
0x41: {  	_ =	shalt  }
0x42: {  	_ =	shalt  }
0x43: {  	_ =	shalt  }
0x44: {  	_ =	shalt  }
0x45: {  	_ =	shalt  }
0x46: {  	_ =	shalt  }
0x47: {  	_ =	shalt  }
0x48: {  	_ =	shalt  }
0x49: {  	_ =	shalt  }
0x4a: {  	_ =	shalt  }
0x4b: {  	_ =	shalt  }
0x4c: {  	_ =	shalt  }
0x4d: {  	_ =	shalt  }
0x4e: {  	_ =	shalt  }
0x4f: {  	_ =	shalt  }
0x50: {  	_ =	shalt  }
0x51: {  	_ =	shalt  }
0x52: {  	_ =	shalt  }
0x53: {  	_ =	shalt  }
0x54: {  	_ =	shalt  }
0x55: {  	_ =	shalt  }
0x56: {  	_ =	shalt  }
0x57: {  	_ =	shalt  }
0x58: {  	_ =	shalt  }
0x59: {  	_ =	shalt  }
0x5a: {  	_ =	shalt  }
0x5b: {  	_ =	shalt  }
0x5c: {  	_ =	shalt  }
0x5d: {  	_ =	shalt  }
0x5e: {  	_ =	shalt  }
0x5f: {  	_ =	shalt  }
0x60: {  	_ =	shalt  }
0x61: {  	_ =	shalt  }
0x62: {  	_ =	shalt  }
0x63: {  	_ =	shalt  }
0x64: {  	_ =	shalt  }
0x65: {  	_ =	shalt  }
0x66: {  	_ =	shalt  }
0x67: {  	_ =	shalt  }
0x68: {  	_ =	shalt  }
0x69: {  	_ =	shalt  }
0x6a: {  	_ =	shalt  }
0x6b: {  	_ =	shalt  }
0x6c: {  	_ =	shalt  }
0x6d: {  	_ =	shalt  }
0x6e: {  	_ =	shalt  }
0x6f: {  	_ =	shalt  }
0x70: {  	_ =	shalt  }
0x71: {  	_ =	shalt  }
0x72: {  	_ =	shalt  }
0x73: {  	_ =	shalt  }
0x74: {  	_ =	shalt  }
0x75: {  	_ =	shalt  }
0x76: {  	_ =	shalt  }
0x77: {  	_ =	shalt  }
0x78: {  	_ =	shalt  }
0x79: {  	_ =	shalt  }
0x7a: {  	_ =	shalt  }
0x7b: {  	_ =	shalt  }
0x7c: {  	_ =	shalt  }
0x7d: {  	_ =	shalt  }
0x7e: {  	_ =	shalt  }
0x7f: {  	_ =	shalt  }
0x80: {  	_ =	shalt  }
0x81: {  	_ =	shalt  }
0x82: {  	_ =	shalt  }
0x83: {  	_ =	shalt  }
0x84: {  	_ =	shalt  }
0x85: {  	_ =	shalt  }
0x86: {  	_ =	shalt  }
0x87: {  	_ =	shalt  }
.Lfunc_end0:
.L_simem_size_0:
called_computation_lowered:
.L_overlay_start_0:
0x88: {  	s2 =	sld [smem:$0x3FD9]  }
0x89: {  	s3 =	sld [smem:$0x3FFE];
	_ =	sdelay $0x1  }
0x8a: {  	s1 =	srdreg.scid  }
0x8b: {  	s0 =	sand.u32 $0x1, s1  }
0x8c: {  	s17 =	sshll.u32 s0, $0xA;
	s2 =	sadd.s32 s3, s2  }
0x8d: {  	s2 =	sadd.s32 s2, s17  }
0x8e: {  	[smem:$0x3FBA] =	sst s2  }
0x8f: {  	_ = 	snop  }
0x90: {  	s2 =	sld [smem:$0x3FC0]  }
0x91: {  	s18 =	sld [smem:$0x3FD0];
	(tm) =	ssettm $0x1  }
0x92: {  	s4 =	sld [smem:$0x3FFB];
	_ =	sdelay $0x3  }
0x93: {  	_ =	strace s4  }
0x94: {  	s4 =	sld [smem:$0x3FFC];
	_ =	sdelay $0x3  }
0x95: {  	_ =	strace s4  }
0x96: {  	s4 =	sld [smem:$0x3FFD];
	_ =	sdelay $0x3  }
0x97: {  	_ =	strace s4  }
0x98: {  	_ =	strace $0x8FFFFFFF  }
0x99: {  	s19 =	sld [smem:$0x3FDB];
	_ =	sdelay $0x1  }
0x9a: {  	s5 =	simm.s32 $_scs_section_size  }
0x9b: {  	s6 =	simm.s32 $_size__tile_overlayer_lowered;
	s7 =	simm.s32 $_tile_overlayer_lowered  }
0x9c: {  	s22 =	simm.s32 $0x1BFF;
	s21 =	sshll.u32 s7, $0x1;
	s4 =	sadd.s32 s5, s19  }
0x9d: {  	s8 =	simm.s32 $0x0;
	s20 =	sshll.u32 s6, $0x1;
	s6 =	sadd.s32 s21, s4  }
0x9e: {  	[timem:s8], [sflag:s22] =	dma.local [hbm:s6], s20  }
0x9f: {  	_ =	swait.ge [sflag:s22], s20  }
0xa0: {  	s5 =	ssub.s32 $0x0, s20;
	[sflag:s22] =	ssyncset.done $0x0  }
0xa1: {  	[sflag:s22] =	ssyncadd.s32 s5;
	_ =	sdelay $0x1  }
0xa2: {  	s23 =	simm.s32 $0x1B8B  }
0xa3: {  	_ =	swait.ge [sflag:s23], $0x1  }
0xa4: {  	[sflag:s23] =	ssyncset.done $0x0  }
0xa5: {  	s25 =	simm.s32 $0x1B8E;
	s24 =	sld [smem:$0x3FFE];
	[sflag:s23] =	ssyncadd.s32 $0xFFFFFFFF  }
0xa6: {  	s26 =	simm.s32 $execute0_lowered;
	[smem:$0x3FD2] =	sst s25  }
0xa7: {  	s6 =	sshll.u32 s26, $0x1;
	_ =	strace $0x80000046;
	[dreg:$0x1] =	wrdreg $0xFFFFFFFF  }
0xa8: {  	s28 =	simm.s32 $_size_execute0_lowered;
	s4 =	sadd.s32 s4, s6;
	[dreg:$0x0] =	wrdreg $0x0  }
0xa9: {  	s6 =	sshll.u32 s28, $0x1;
	[dreg:$0x2] =	wrdreg s4  }
0xaa: {  	[dreg:$0x3] =	wrdreg s6  }
0xab: {  	[dreg:$0x4] =	wrdreg $0xC0  }
0xac: {  	_ =	task [dreg:s8], $0x5FFFF  }
0xad: {  	[dreg:$0x1] =	wrdreg $0xFFFFFFFF  }
0xae: {  	[dreg:$0x0] =	wrdreg $0x60  }
0xaf: {  	[dreg:$0x2] =	wrdreg s18  }
0xb0: {  	[dreg:$0x3] =	wrdreg s24  }
0xb1: {  	[dreg:$0x4] =	wrdreg s2  }
0xb2: {  	[dreg:$0x5] =	wrdreg $0x0  }
0xb3: {  	[dreg:$0x6] =	wrdreg $0x9  }
0xb4: {  	_ =	task.clear_ibuf [dreg:s8], $0x7FFFF;
	_ =	strace $0x90000046  }
0xb5: {  	s29 =	simm.s32 $0x9;
	_ =	strace $0x80000048  }
0xb6: {  	_ =	swait.ge [sflag:s29], $0x1  }
0xb7: {  	[sflag:s29] =	ssyncadd.s32 $0xFFFFFFFF  }
0xb8: {  	_ =	strace $0x90000048  }
0xb9: {  	_ =	sfence  }
0xba: {  	s30 =	sld [smem:$0x0];
	_ =	sdelay $0x2  }
0xbb: {  	s31 =	sshll.u32 s1, $0xD;
	s1 =	sshrl.u32 s1, $0x2  }
0xbc: {  	s3 =	sand.u32 $0x4000, s31;
	s1 =	sadd.s32 s1, s30  }
0xbd: {  	s0 =	sor.u32 s3, s0;
	s1 =	sshll.u32 s1, $0x11  }
0xbe: {  	s0 =	sor.u32 s1, s0  }
0xbf: {  	s0 =	sadd.s32 $0x8F2B, s0  }
0xc0: {  	[sflag:s0] =	ssyncadd.remote.s32 $0x1  }
0xc1: {  	_ =	sfence.sel $0xFFFF  }
0xc2: {  	[dreg:$0x0] =	wrdreg $0xFFFFFFFF;
	(pc) =	sbr.abs _section_cstart, $3  }
0xc3: {  	[dreg:$0x1] =	wrdreg $0xFFFFFFFF  }
0xc4: {  	_ =	task.clear_ibuf [dreg:s8], $0x2FFFF;
	_ =	strace $0x9FFFFFFF  }
0xc5: {  	(tm) =	ssettm $0x7FFFFFFF  }
tec
execute0_lowered:
.L_overlay_start_1:
0x0: {  	(tag) =	ssettag $0x1  }
0x1: {  	s0 =	rddreg [dreg:$0x1]  }
0x2: {  	s15 =	rddreg [dreg:$0x3]  }
0x3: {  	s5 =	stileid.u32;
	s1 =	srdreg.scid;
	s3 =	simm.s32 $0x0  }
0x4: {  	s19 =	simm.s32 $0x2;
	s21 =	simm.s32 $0x1E180;
	s22 =	simm.s32 $0x1E200  }
0x5: {  	s23 =	simm.s32 $0x1E280;
	s28 =	simm.s32 $0x1;
	s30 =	simm.s32 $0x19000  }
0x6: {  	s31 =	simm.s32 $0x1E000;
	s2 =	smul.u32 $0x14000, s5;
	s1 =	sand.u32 $0x1, s1  }
0x7: {  	[smem:$0x7FF] =	sst s3;
	s6 =	sadd.s32 $0x28C00, s0;
	s7 =	sadd.s32 $0x4FE00, s0  }
0x8: {  	s8 =	sadd.s32 $0x1400, s0;
	s9 =	sadd.s32 $0xB200, s0;
	s10 =	sadd.s32 $0x1EE00, s0  }
0x9: {  	s11 =	sadd.s32 $0x15000, s0;
	s14 =	smul.u32 $0x50000, s5;
	s12 =	sadd.s32 $0xEF000, s0  }
0xa: {  	s29 =	sshll.u32 s5, $0x6;
	s24 =	smul.u32 $0x140000, s1;
	s4 =	ssub.s32 $0x2, s1  }
0xb: {  	_ =	strace $0x80000047;
	s1 =	sshll.u32 s1, $0x4;
	s25 =	sshrl.u32 s4, $0x1  }
0xc: {  	s1 =	sor.u32 s5, s1;
	s3 =	sadd.s32 s2, s24;
	s2 =	sshrl.u32 s2, $0x3  }
0xd: {  	s26 =	sshrl.u32 s14, $0x2;
	s3 =	sshrl.u32 s3, $0x3;
	s2 =	sadd.s32 s2, s0  }
0xe: {  	s13 =	smul.u32 $0x2710, s1;
	s3 =	sadd.s32 s3, s0;
	s2 =	sadd.s32 $0x77000, s2  }
0xf: {  	s0 =	ssub.s32 s4, s25;
	[dreg:$0x5] =	wrdreg s2;
	s3 =	sadd.s32 $0x9F000, s3  }
0x10: {  	s1 =	sadd.s32 s26, s15;
	s0 =	smax.u32 s0, $0x1;
	[dreg:$0x7] =	wrdreg s3  }
0x11: {  	s24 =	simm.s32 $0x1E300;
	s2 =	sor.u32 $0x1C02, s29;
	[dreg:$0x8] =	wrdreg s0  }
0x12: {  	s25 =	simm.s32 $0x50;
	s3 =	sshrl.u32 s1, $0x3;
	[dreg:$0x6] =	wrdreg s2  }
0x13: {  	s4 =	simm.s32 $0x0;
	s0 =	simm.s32 $0x1B800;
	[dreg:$0x9] =	wrdreg s3  }
.LBB2_1:
0x14: {  	[dreg:$0xa] =	wrdreg s4  }
0x15: {  	s1 =	rddreg [dreg:$0x5]  }
0x16: {  	[spmem:s3], [sflag:s2] =	dma.local [hbm:s1], $0x2800  }
0x17: {  	_ =	swait.ge [sflag:s19], $0x2800  }
0x18: {  	[sflag:s19] =	ssyncset.done $0x0  }
0x19: {  	[sflag:s19] =	ssyncadd.s32 $0xFFFFD800  }
0x1a: {  	s26 =	simm.s32 $0x0;
	s29 =	simm.s32 $0x1E380;
	s20 =	rddreg [dreg:$0x2]  }
0x1b: {  	[tilespmem:s29], [sflag:$0x2] =	stream.linear.gather [hbm4b:s20+s26], $0x100, $0x38;
	[tilespmem:$0x1E480] =	vst v63  }
0x1c: {  	_ =	swait.ge [sflag:s19], $0x100  }
0x1d: {  	[sflag:s19] =	ssyncset.done $0x0  }
0x1e: {  	[sflag:s19] =	ssyncadd.s32 $0xFFFFFF00  }
0x1f: {  	[bflag:$0x0] =	sbarrier.arrive $0xFFFF  }
0x20: {  	v56 =	vld [tilespmem:$0x1E380]  }
0x21: {  	v63 =	vld [tilespmem:$0x1E390]  }
0x22: {  	v1 =	vld [tilespmem:$0x1E3A0]  }
0x23: {  	v2 =	vld [tilespmem:$0x1E3B0]  }
0x24: {  	v6 =	vld [tilespmem:$0x1E400]  }
0x25: {  	v3 =	vld [tilespmem:$0x1E3C0]  }
0x26: {  	v4 =	vld [tilespmem:$0x1E3D0]  }
0x27: {  	v8 =	vld [tilespmem:$0x1E420]  }
0x28: {  	v5 =	vld [tilespmem:$0x1E3F0];
	[tilespmem:$0x1FF80] =	vst v1  }
0x29: {  	v9 =	vld [tilespmem:$0x1E430];
	[tilespmem:$0x1FF90] =	vst v6  }
0x2a: {  	v47 =	vld [tilespmem:$0x1E3E0];
	[tilespmem:$0x1FFA0] =	vst v2  }
0x2b: {  	v7 =	vld [tilespmem:$0x1E410];
	[tilespmem:$0x1FFB0] =	vst v3  }
0x2c: {  	v10 =	vld [tilespmem:$0x1E440];
	[tilespmem:$0x1FFC0] =	vst v8  }
0x2d: {  	v11 =	vld [tilespmem:$0x1E450];
	[tilespmem:$0x1FFD0] =	vst v5  }
0x2e: {  	v12 =	vld [tilespmem:$0x1E460];
	[tilespmem:$0x1FFE0] =	vst v9  }
0x2f: {  	s3 =	simm.s32 $0x0;
	v13 =	vld [tilespmem:$0x1E470];
	[tilespmem:$0x1FFF0] =	vst v4  }
.LBB2_2:
0x30: {  	s1 =	smul.u32 $0x50, s3;
	_ =	sdelay $0x1  }
0x31: {  	s20 =	sadd.s32 s13, s1  }
0x32: {  	s1 =	sshrl.u32 s20, $0x3  }
0x33: {  	s14 =	simm.s32 $0x0;
	s2 =	sadd.s32 s8, s1  }
0x34: {  	[tilespmem:s21], [sflag:$0x2] =	stream.linear.gather [hbm4b:s2+s14], $0x50, $0x38;
	[tilespmem:$0x1E480] =	vst v63  }
0x35: {  	_ =	swait.ge [sflag:s19], $0x50  }
0x36: {  	[sflag:s19] =	ssyncset.done $0x0  }
0x37: {  	s16 =	sadd.s32 s9, s1;
	[sflag:s19] =	ssyncadd.s32 $0xFFFFFFB0  }
0x38: {  	[tilespmem:s22], [sflag:$0x2] =	stream.linear.gather [hbm4b:s16+s14], $0x50, $0x38;
	[tilespmem:$0x1E480] =	vst v63  }
0x39: {  	_ =	swait.ge [sflag:s19], $0x50  }
0x3a: {  	[sflag:s19] =	ssyncset.done $0x0  }
0x3b: {  	s17 =	sadd.s32 s10, s1;
	[sflag:s19] =	ssyncadd.s32 $0xFFFFFFB0  }
0x3c: {  	[tilespmem:s23], [sflag:$0x2] =	stream.linear.gather [hbm4b:s17+s14], $0x50, $0x38;
	[tilespmem:$0x1E480] =	vst v63  }
0x3d: {  	_ =	swait.ge [sflag:s19], $0x50  }
0x3e: {  	[sflag:s19] =	ssyncset.done $0x0  }
0x3f: {  	s1 =	sadd.s32 s11, s1;
	[sflag:s19] =	ssyncadd.s32 $0xFFFFFFB0  }
0x40: {  	[tilespmem:s24], [sflag:$0x2] =	stream.linear.gather [hbm4b:s1+s14], $0x50, $0x38;
	[tilespmem:$0x1E480] =	vst v63  }
0x41: {  	_ =	swait.ge [sflag:s19], $0x50  }
0x42: {  	[sflag:s19] =	ssyncset.done $0x0  }
0x43: {  	[sflag:s19] =	ssyncadd.s32 $0xFFFFFFB0  }
0x44: {  	s26 =	simm.s32 $0x14000;
	s18 =	rddreg [dreg:$0x0]  }
0x45: {  	[tilespmem:s26], [sflag:$0x1] =	stream.indirect.gather [hbm4b:s18+s25], $0x80, s22, s25, $0xb8;
	[tilespmem:$0x1E480] =	vst v63  }
0x46: {  	_ =	swait.ge [sflag:s28], $0x2800  }
0x47: {  	[sflag:s28] =	ssyncset.done $0x0  }
0x48: {  	s29 =	simm.s32 $0x16800;
	[sflag:s28] =	ssyncadd.s32 $0xFFFFD800  }
0x49: {  	[tilespmem:s29], [sflag:$0x1] =	stream.indirect.gather [hbm4b:s6+s25], $0x80, s21, s25, $0xb8;
	[tilespmem:$0x1E480] =	vst v63  }
0x4a: {  	_ =	swait.ge [sflag:s28], $0x2800  }
0x4b: {  	[sflag:s28] =	ssyncset.done $0x0  }
0x4c: {  	[sflag:s28] =	ssyncadd.s32 $0xFFFFD800  }
0x4d: {  	[tilespmem:s30], [sflag:$0x1] =	stream.indirect.gather [hbm4b:s7+s25], $0x80, s21, s25, $0xb8;
	[tilespmem:$0x1E480] =	vst v63  }
0x4e: {  	_ =	swait.ge [sflag:s28], $0x2800  }
0x4f: {  	[sflag:s28] =	ssyncset.done $0x0  }
0x50: {  	[sflag:s28] =	ssyncadd.s32 $0xFFFFD800  }
.LBB2_3:
0x51: {  	v25 =	vmov s14;
	_ =	sdelay $0x1  }
0x52: {  	s15 =	sshll.u32 s14, $0x7  }
0x53: {  	v17 =	vld [tilespmem:s15+$0x14000]  }
0x54: {  	v23 =	vld [tilespmem:s15+$0x16800]  }
0x55: {  	v0 =	vld.idx.msk [tilespmem:v25+s23+$0x0], $0xffff  }
0x56: {  	v16 =	vld.idx.msk [tilespmem:v25+s24+$0x0], $0xffff  }
0x57: {  	v24 =	vld [tilespmem:s15+$0x14010]  }
0x58: {  	v26 =	vld [tilespmem:s15+$0x16810]  }
0x59: {  	s1 =	sor.u32 $0x1, s14;
	v31 =	vld [tilespmem:s15+$0x14020]  }
0x5a: {  	v32 =	vld [tilespmem:s15+$0x16820];
	v22 =	vmov s1  }
0x5b: {  	v33 =	vld [tilespmem:s15+$0x14030];
	v18 =	vmul.f32 v0, v56;
	v19 =	vmul.f32 v16, v6  }
0x5c: {  	v34 =	vld [tilespmem:s15+$0x16830];
	v20 =	vmul.f32 v0, v63;
	v21 =	vmul.f32 v16, v7  }
0x5d: {  	v35 =	vld [tilespmem:s15+$0x14040];
	v27 =	vmul.f32 v0, v1;
	v28 =	vmul.f32 v16, v8  }
0x5e: {  	v36 =	vld [tilespmem:s15+$0x16840];
	v54 =	vmul.f32 v0, v2;
	v29 =	vmul.f32 v16, v9  }
0x5f: {  	v44 =	vld.idx.msk [tilespmem:v22+s24+$0x0], $0xffff;
	v30 =	vmul.f32 v0, v3;
	v38 =	vmul.f32 v16, v10  }
0x60: {  	v43 =	vld.idx.msk [tilespmem:v22+s23+$0x0], $0xffff;
	v55 =	vmul.f32 v0, v4;
	v57 =	vmul.f32 v16, v11  }
0x61: {  	v37 =	vld [tilespmem:s15+$0x14050];
	v58 =	vmul.f32 v0, v47;
	v41 =	vmul.f32 v16, v12;
	v18 =	vadd.f32 v19, v18  }
0x62: {  	v39 =	vld [tilespmem:s15+$0x16850];
	v0 =	vmul.f32 v0, v5;
	v19 =	vadd.f32 v21, v20;
	v20 =	vadd.f32 v28, v27  }
0x63: {  	v40 =	vld [tilespmem:s15+$0x14060];
	v16 =	vmul.f32 v16, v13;
	v14 =	vadd.f32 v29, v54;
	v30 =	vadd.f32 v38, v30  }
0x64: {  	v61 =	vld [tilespmem:s15+$0x16870];
	v46 =	vmul.f32 v44, v9;
	v59 =	vadd.f32 v57, v55;
	v15 =	vadd.f32 v41, v58  }
0x65: {  	v42 =	vld [tilespmem:s15+$0x16860];
	v62 =	vadd.f32 v16, v0;
	v55 =	vmul.f32 v44, v6;
	v57 =	vmul.f32 v43, v63  }
0x66: {  	v60 =	vld [tilespmem:s15+$0x14070];
	s17 =	sshll.u32 s1, $0x7;
	v58 =	vmul.f32 v44, v7;
	v23 =	vadd.f32 v18, v23;
	v26 =	vadd.f32 v26, v19  }
0x67: {  	v45 =	vld [tilespmem:s17+$0x16830];
	v27 =	vmul.f32 v43, v4;
	v0 =	vadd.f32 v32, v20;
	v50 =	vadd.f32 v34, v14  }
0x68: {  	v38 =	vld [tilespmem:s17+$0x14020];
	[tilespmem:$0x1FD50] =	vst v59;
	v51 =	vadd.f32 v36, v30;
	v52 =	vadd.f32 v39, v59;
	v59 =	vmul.f32 v43, v1  }
0x69: {  	v41 =	vld [tilespmem:s17+$0x14030];
	v54 =	vadd.f32 v61, v62;
	v61 =	vmul.f32 v43, v2;
	v48 =	vmul.f32 v23, v17  }
0x6a: {  	v34 =	vld [tilespmem:s17+$0x16800];
	v53 =	vadd.f32 v42, v15;
	v49 =	vmul.f32 v26, v24;
	v0 =	vmul.f32 v0, v31  }
0x6b: {  	v39 =	vld [tilespmem:s17+$0x14010];
	v23 =	vmul.f32 v50, v33;
	v26 =	vmul.f32 v51, v35  }
0x6c: {  	v36 =	vld [tilespmem:s17+$0x16810];
	v31 =	vmul.f32 v52, v37;
	v32 =	vmul.f32 v53, v40  }
0x6d: {  	v29 =	vmov v47;
	v47 =	vld [tilespmem:s17+$0x14040];
	v33 =	vmul.f32 v54, v60;
	v60 =	vmul.f32 v44, v8  }
0x6e: {  	[tilespmem:$0x1FD40] =	vst v30;
	v30 =	vadd.f32 v58, v57;
	v58 =	vld [tilespmem:s17+$0x14060];
	v51 =	vmul.f32 v44, v11;
	v35 =	vmul.f32 v44, v12  }
0x6f: {  	v24 =	vld [tilespmem:s17+$0x14000];
	v37 =	vadd.f32 v49, v48;
	v23 =	vadd.f32 v23, v0;
	v0 =	vmul.f32 v43, v56  }
0x70: {  	v40 =	vld [tilespmem:s17+$0x16820];
	v26 =	vadd.f32 v31, v26;
	v42 =	vadd.f32 v33, v32;
	v48 =	vmul.f32 v43, v3  }
0x71: {  	[tilespmem:$0x1FD70] =	vst v62;
	v50 =	vld [tilespmem:s17+$0x16840];
	v49 =	vmul.f32 v44, v10;
	v62 =	vadd.f32 v60, v59;
	v31 =	vadd.f32 v46, v61  }
0x72: {  	v53 =	vld [tilespmem:s17+$0x16850];
	v32 =	vmul.f32 v43, v29;
	v27 =	vadd.f32 v51, v27;
	v43 =	vmul.f32 v43, v5  }
0x73: {  	v54 =	vld [tilespmem:s17+$0x16860];
	v44 =	vmul.f32 v44, v13;
	v57 =	vadd.f32 v36, v30;
	v0 =	vadd.f32 v55, v0  }
0x74: {  	[tilespmem:$0x1FD60] =	vst v15;
	v21 =	vadd.f32 v49, v48;
	v15 =	vadd.f32 v35, v32;
	v55 =	vld [tilespmem:s17+$0x16870]  }
0x75: {  	v52 =	vld [tilespmem:s17+$0x14050];
	v36 =	vadd.f32 v44, v43;
	v61 =	vadd.f32 v45, v31  }
0x76: {  	v59 =	vld [tilespmem:s17+$0x14070];
	v40 =	vadd.f32 v40, v62;
	v34 =	vadd.f32 v0, v34  }
0x77: {  	[tilespmem:$0x1FD90] =	vst v62;
	v60 =	vmul.f32 v57, v39;
	v17 =	vadd.f32 v53, v27;
	v16 =	vadd.f32 v50, v21  }
0x78: {  	s16 =	sor.u32 $0x2, s14;
	(xrf2) =	vadd.scan.msk.f32 $0xffff, v37;
	v28 =	vmul.f32 v61, v41;
	v35 =	vadd.f32 v54, v15;
	v24 =	vmul.f32 v34, v24  }
0x79: {  	(xrf2) =	vadd.scan.msk.f32 $0xffff, v23;
	v62 =	vmul.f32 v40, v38;
	v34 =	vmov s16;
	v44 =	vadd.f32 v55, v36  }
0x7a: {  	(xrf2) =	vadd.scan.msk.f32 $0xffff, v26;
	v46 =	vmul.f32 v17, v52;
	v45 =	vmul.f32 v16, v47;
	v24 =	vadd.f32 v60, v24  }
0x7b: {  	(xrf2) =	vadd.scan.msk.f32 $0xffff, v42;
	v47 =	vmul.f32 v35, v58;
	v23 =	vadd.f32 v28, v62;
	v48 =	vmul.f32 v44, v59  }
0x7c: {  	v49 =	vadd.f32 v46, v45;
	(xrf2) =	vadd.scan.msk.f32 $0xffff, v24  }
0x7d: {  	(xrf2) =	vadd.scan.msk.f32 $0xffff, v23;
	v50 =	vadd.f32 v48, v47  }
0x7e: {  	v26 =	vld.idx.msk [tilespmem:v34+s23+$0x0], $0xffff;
	(xrf2) =	vadd.scan.msk.f32 $0xffff, v49  }
0x7f: {  	v41 =	vld.idx.msk [tilespmem:v34+s24+$0x0], $0xffff;
	(xrf2) =	vadd.scan.msk.f32 $0xffff, v50;
	_ =	sdelay $0x1  }
0x80: {  	s16 =	sshll.u32 s16, $0x7  }
0x81: {  	v40 =	vld [tilespmem:s16+$0x14000];
	v51, _, _ =	vpop (xrf2)  }
0x82: {  	v57 =	vld [tilespmem:s16+$0x16800];
	(v2sf) =	vpush v51, $0xF;
	v52, _, _ =	vpop (xrf2)  }
0x83: {  	v42 =	vld [tilespmem:s16+$0x14010];
	(v2sf) =	vpush v52, $0xF;
	v53, _, _ =	vpop (xrf2);
	v62 =	vmul.f32 v26, v56;
	v17 =	vmul.f32 v41, v6  }
0x84: {  	[tilespmem:$0x1FDA0] =	vst v21;
	v43 =	vld [tilespmem:s16+$0x16810];
	(v2sf) =	vpush v53, $0xF;
	v54, _, _ =	vpop (xrf2);
	v21 =	vmul.f32 v26, v63;
	v32 =	vmul.f32 v41, v7  }
0x85: {  	v35 =	vld [tilespmem:s16+$0x16820];
	(v2sf) =	vpush v54, $0xF;
	v33 =	vmul.f32 v26, v1;
	v58 =	vmul.f32 v41, v8;
	v55, _, _ =	vpop (xrf2)  }
0x86: {  	[tilespmem:$0x1FDB0] =	vst v27;
	v44 =	vld [tilespmem:s16+$0x14020];
	v59 =	vmul.f32 v26, v2;
	v27 =	vadd.f32 v17, v62;
	(v2sf) =	vpush v55, $0xF;
	v60, _, _ =	vpop (xrf2)  }
0x87: {  	v28 =	vmul.f32 v41, v11;
	v24 =	vadd.f32 v32, v21;
	(v2sf) =	vpush v60, $0xF;
	v61, _, _ =	vpop (xrf2);
	v60 =	vld [tilespmem:s16+$0x16830]  }
0x88: {  	v23 =	vld [tilespmem:s16+$0x14040];
	v62 =	vmul.f32 v26, v3;
	(v2sf) =	vpush v61, $0xF;
	v16, _, _ =	vpop (xrf2);
	v61 =	vmul.f32 v41, v9  }
0x89: {  	v37 =	vadd.f32 v58, v33;
	v17 =	vmul.f32 v41, v10;
	(v2sf) =	vpush v16, $0xF;
	v16 =	vld [tilespmem:s16+$0x14030]  }
0x8a: {  	v54 =	vld [tilespmem:s16+$0x16840];
	v21 =	vmul.f32 v26, v4;
	v32 =	vmul.f32 v26, v29;
	v38 =	vadd.f32 v61, v59  }
0x8b: {  	v58 =	vld [tilespmem:s16+$0x16850];
	v26 =	vmul.f32 v26, v5;
	v57 =	vadd.f32 v27, v57;
	v43 =	vadd.f32 v43, v24  }
0x8c: {  	v47 =	vadd.f32 v35, v37;
	v35 =	vld [tilespmem:s16+$0x16860];
	v55 =	vmul.f32 v41, v12;
	v49 =	vadd.f32 v60, v38  }
0x8d: {  	v39 =	vadd.f32 v17, v62;
	v33 =	vmul.f32 v57, v40;
	v42 =	vmul.f32 v43, v42;
	v59 =	vld [tilespmem:s16+$0x14050]  }
0x8e: {  	v40 =	vadd.f32 v28, v21;
	v44 =	vmul.f32 v47, v44;
	v60 =	vld [tilespmem:s16+$0x16870];
	v57 =	vmul.f32 v49, v16  }
0x8f: {  	v62 =	vld [tilespmem:s16+$0x14060];
	v41 =	vmul.f32 v41, v13;
	v1 =	vadd.f32 v55, v32;
	v42 =	vadd.f32 v42, v33  }
0x90: {  	v17 =	vld [tilespmem:s16+$0x14070];
	v61 =	vadd.f32 v54, v39;
	v44 =	vadd.f32 v57, v44  }
0x91: {  	v2 =	vadd.f32 v41, v26;
	(xrf2) =	vadd.scan.msk.f32 $0xffff, v42;
	s18 =	spop (v2sf);
	v16 =	vadd.f32 v58, v40  }
0x92: {  	v43 =	vadd.f32 v35, v1;
	s1 =	smul.f32 $1.767766920e-01, s18;
	(xrf2) =	vadd.scan.msk.f32 $0xffff, v44  }
0x93: {  	v21 =	vmul.f32 v61, v23;
	v23 =	vmul.f32 v16, v59;
	v32 =	vadd.f32 v60, v2  }
0x94: {  	v33 =	vmul.f32 v43, v62;
	v28 =	vmov s1  }
0x95: {  	v42 =	vmul.f32 $1.442695020e+00, v28;
	v26 =	vadd.f32 v23, v21;
	v35 =	vmul.f32 v32, v17  }
0x96: {  	s26 =	spop (v2sf)  }
0x97: {  	s2 =	spop (v2sf);
	s1 =	smul.f32 $1.767766920e-01, s26;
	v42 =	vbroadcast v42, $0x0;
	(xrf2) =	vadd.scan.msk.f32 $0xffff, v26;
	v41 =	vadd.f32 v35, v33  }
0x98: {  	s2 =	smul.f32 $1.767766920e-01, s2;
	s4 =	spop (v2sf)  }
0x99: {  	s29 =	smul.f32 $1.767766920e-01, s4;
	v48 =	vmov s1;
	(erf) = vpow2.f32 v42;
	(xrf2) =	vadd.scan.msk.f32 $0xffff, v41  }
0x9a: {  	v50 =	vmov s2;
	v49 =	vmul.f32 $1.442695020e+00, v48;
	s2 =	spop (v2sf)  }
0x9b: {  	v25 =	vshll.u32 v25, $0x2;
	v51 =	vmul.f32 $1.442695020e+00, v50;
	v52 =	vmov s29;
	v55, _, _ =	vpop (xrf2);
	s1 =	smul.f32 $1.767766920e-01, s2;
	s4 =	spop (v2sf)  }
0x9c: {  	v43 =	vmul.f32 $1.442695020e+00, v52;
	v26 =	vbroadcast v49, $0x0;
	(v2sf) =	vpush v55, $0xF;
	s2 =	smul.f32 $1.767766920e-01, s4;
	v57, _, _ =	vpop (xrf2)  }
0x9d: {  	v53 =	vbroadcast v51, $0x0;
	v58 =	vmov s1;
	(v2sf) =	vpush v57, $0xF  }
0x9e: {  	(erf) = vpow2.f32 v26;
	v26 =	vmul.f32 $1.442695020e+00, v58;
	v60 =	vmov s2  }
0x9f: {  	[tilespmem:$0x1FD80] =	vst v0;
	v54 =	vbroadcast v43, $0x0;
	v42 =	vmul.f32 $1.442695020e+00, v60  }
0xa0: {  	[tilespmem:$0x1FDC0] =	vst v15;
	(erf) = vpow2.f32 v53;
	v26 =	vbroadcast v26, $0x0  }
0xa1: {  	[tilespmem:$0x1FE70] =	vst v1;
	(erf) = vpow2.f32 v54;
	v42 =	vbroadcast v42, $0x0;
	v17, _, _ =	vpop (xrf2)  }
0xa2: {  	[tilespmem:$0x1FE80] =	vst v2;
	s5 =	spop (v2sf);
	v47 =	vpop (erf);
	(erf) = vpow2.f32 v26;
	(v2sf) =	vpush v17, $0xF  }
0xa3: {  	s26 =	spop (v2sf);
	(erf) = vpow2.f32 v42;
	v32, _, _ =	vpop (xrf2);
	[tilespmem:v25+s31+$0x0] =	vst.idx.msk $0x1, v47  }
0xa4: {  	(v2sf) =	vpush v32, $0xF;
	_ =	sdelay $0x4  }
0xa5: {  	v59 =	vor.u32 $0x1, v25  }
0xa6: {  	v61 =	vor.u32 $0x2, v25;
	s18 =	smul.f32 $1.767766920e-01, s5  }
0xa7: {  	v21 =	vor.u32 $0x3, v25;
	s29 =	smul.f32 $1.767766920e-01, s26;
	s4 =	spop (v2sf)  }
0xa8: {  	v62 =	vmov s18;
	s1 =	smul.f32 $1.767766920e-01, s4;
	s5 =	spop (v2sf)  }
0xa9: {  	s18 =	sor.u32 $0x3, s14;
	v44 =	vmul.f32 $1.442695020e+00, v62;
	v16 =	vmov s29;
	v48 =	vpop (erf);
	s2 =	smul.f32 $1.767766920e-01, s5  }
0xaa: {  	v0 =	vmov s18;
	v45 =	vmul.f32 $1.442695020e+00, v16;
	[tilespmem:v59+s31+$0x0] =	vst.idx.msk $0x1, v48;
	v46 =	vpop (erf);
	v62 =	vmov s1  }
0xab: {  	v23 =	vbroadcast v44, $0x0;
	[tilespmem:v61+s31+$0x0] =	vst.idx.msk $0x1, v46;
	v25 =	vpop (erf);
	v16 =	vmul.f32 $1.442695020e+00, v62;
	v17 =	vmov s2  }
0xac: {  	v28 =	vbroadcast v45, $0x0;
	[tilespmem:v21+s31+$0x0] =	vst.idx.msk $0x1, v25;
	v21 =	vmul.f32 $1.442695020e+00, v17  }
0xad: {  	(erf) = vpow2.f32 v23;
	v42 =	vbroadcast v16, $0x0;
	s26 =	spop (v2sf)  }
0xae: {  	(erf) = vpow2.f32 v28;
	s2 =	smul.f32 $1.767766920e-01, s26;
	v54 =	vbroadcast v21, $0x0  }
0xaf: {  	v33 =	vshll.u32 v22, $0x2;
	v41 =	vld [tilespmem:s15+$0x19000];
	(erf) = vpow2.f32 v42;
	s29 =	spop (v2sf)  }
0xb0: {  	v35 =	vor.u32 $0x1, v33;
	s18 =	sshll.u32 s18, $0x7;
	v1 =	vld.idx.msk [tilespmem:v0+s24+$0x0], $0xffff;
	v23 =	vmov s2;
	s2 =	smul.f32 $1.767766920e-01, s29;
	(erf) = vpow2.f32 v54  }
0xb1: {  	v15 =	vld [tilespmem:s18+$0x14010]  }
0xb2: {  	v50 =	vld [tilespmem:s15+$0x19010];
	v32 =	vmov s2  }
0xb3: {  	v34 =	vshll.u32 v34, $0x2;
	v8 =	vld [tilespmem:s18+$0x16820];
	v22 =	vpop (erf);
	v54 =	vmul.f32 $1.442695020e+00, v32  }
0xb4: {  	v60 =	vor.u32 $0x2, v33;
	v51 =	vld [tilespmem:s15+$0x19020];
	[tilespmem:v33+s31+$0x0] =	vst.idx.msk $0x1, v22;
	v43 =	vpop (erf);
	v18 =	vadd.f32 v41, v18;
	v42 =	vmul.f32 $1.442695020e+00, v23  }
0xb5: {  	v61 =	vor.u32 $0x3, v33;
	v53 =	vld [tilespmem:s15+$0x19030];
	v33 =	vor.u32 $0x1, v34;
	[tilespmem:v35+s31+$0x0] =	vst.idx.msk $0x1, v43;
	v35 =	vbroadcast v54, $0x0  }
0xb6: {  	[tilespmem:$0x1FE40] =	vst v0;
	v62 =	vld.idx.msk [tilespmem:v0+s23+$0x0], $0xffff;
	v44 =	vpop (erf);
	v0 =	vmul.f32 v18, v47;
	v42 =	vbroadcast v42, $0x0  }
0xb7: {  	v55 =	vld [tilespmem:s15+$0x19040];
	v19 =	vadd.f32 v50, v19;
	v45 =	vpop (erf)  }
0xb8: {  	v57 =	vld [tilespmem:s15+$0x19050];
	[tilespmem:$0x1FDD0] =	vst v0;
	(erf) = vpow2.f32 v42;
	v50 =	vpop (erf)  }
0xb9: {  	v0 =	vmul.f32 v19, v47;
	[tilespmem:v34+s31+$0x0] =	vst.idx.msk $0x1, v50;
	(erf) = vpow2.f32 v35;
	v35 =	vmov v11;
	v11 =	vld [tilespmem:$0x1FFA0];
	v47 =	vpop (erf)  }
0xba: {  	[tilespmem:v33+s31+$0x0] =	vst.idx.msk $0x1, v47;
	v33 =	vmov v10;
	v10 =	vld [tilespmem:$0x1FF80]  }
0xbb: {  	v26 =	vmov v56;
	v16 =	vld [tilespmem:s18+$0x16830];
	v19 =	vadd.f32 v51, v20  }
0xbc: {  	v18 =	vld [tilespmem:s18+$0x16810];
	v51 =	vmul.f32 v62, v26;
	v23 =	vadd.f32 v53, v14;
	v53 =	vmul.f32 v1, v6  }
0xbd: {  	v20 =	vld [tilespmem:s18+$0x14020]  }
0xbe: {  	v53 =	vadd.f32 v53, v51;
	v51 =	vmul.f32 v62, v11;
	v11 =	vld [tilespmem:$0x1FFE0]  }
0xbf: {  	v9 =	vor.u32 $0x3, v34;
	[tilespmem:$0x1FDE0] =	vst v0;
	v0 =	vor.u32 $0x2, v34;
	v34 =	vmul.f32 v62, v10;
	v10 =	vld [tilespmem:$0x1FFC0]  }
0xc0: {  	v28 =	vmov v63;
	v17 =	vld [tilespmem:s18+$0x14030]  }
0xc1: {  	v58 =	vmov v7;
	v7 =	vmul.f32 v1, v7;
	v6 =	vmul.f32 v62, v28;
	v42 =	vld [tilespmem:s18+$0x16800]  }
0xc2: {  	v14 =	vld [tilespmem:$0x1FFF0]  }
0xc3: {  	v5 =	vadd.f32 v7, v6;
	v6 =	vld [tilespmem:$0x1FFB0]  }
0xc4: {  	v21 =	vld [tilespmem:s18+$0x14000];
	v2 =	vmul.f32 v1, v11;
	v41 =	vmul.f32 v1, v10  }
0xc5: {  	[tilespmem:v60+s31+$0x0] =	vst.idx.msk $0x1, v44;
	v32 =	vmov v12;
	v12 =	vld [tilespmem:s18+$0x16840]  }
0xc6: {  	[tilespmem:$0x1FEC0] =	vst v53;
	v42 =	vadd.f32 v53, v42;
	v2 =	vadd.f32 v2, v51;
	v51 =	vld [tilespmem:$0x1FFD0]  }
0xc7: {  	v54 =	vmovc v13;
	v53 =	vld [tilespmem:s18+$0x16870];
	v13 =	vmul.f32 v1, v35;
	v4 =	vadd.f32 v41, v34;
	v34 =	vmul.f32 v62, v14  }
0xc8: {  	[tilespmem:v61+s31+$0x0] =	vst.idx.msk $0x1, v45;
	v6 =	vmul.f32 v62, v6;
	v7 =	vmul.f32 v1, v33;
	v11 =	vld [tilespmem:s18+$0x14040];
	v41 =	vpop (erf)  }
0xc9: {  	v10 =	vld [tilespmem:s18+$0x16850];
	v3 =	vadd.f32 v13, v34;
	[tilespmem:v0+s31+$0x0] =	vst.idx.msk $0x1, v41  }
0xca: {  	v13 =	vld [tilespmem:s18+$0x16860];
	v0 =	vadd.f32 v7, v6;
	v6 =	vmul.f32 v62, v29;
	v7 =	vmul.f32 v1, v32  }
0xcb: {  	v14 =	vld [tilespmem:s18+$0x14050];
	v51 =	vmul.f32 v62, v51;
	v8 =	vadd.f32 v8, v4;
	v1 =	vmul.f32 v1, v54  }
0xcc: {  	[tilespmem:$0x1FEE0] =	vst v4;
	v4 =	vld [tilespmem:s18+$0x14070];
	v34 =	vpop (erf);
	v62 =	vadd.f32 v7, v6;
	v6 =	vadd.f32 v18, v5  }
0xcd: {  	[tilespmem:v9+s31+$0x0] =	vst.idx.msk $0x1, v34;
	v7 =	vld [tilespmem:s18+$0x14060];
	v51 =	vadd.f32 v1, v51;
	v1 =	vmul.f32 v42, v21  }
0xce: {  	v49 =	vld [tilespmem:s15+$0x19060];
	[tilespmem:$0x1FED0] =	vst v5;
	v9 =	vadd.f32 v12, v0;
	v15 =	vmul.f32 v6, v15;
	v6 =	vadd.f32 v16, v2  }
0xcf: {  	v59 =	vld [tilespmem:s15+$0x19070];
	[tilespmem:$0x1FEF0] =	vst v2;
	v5 =	vadd.f32 v10, v3;
	v2 =	vmul.f32 v8, v20;
	v12 =	vadd.f32 v13, v62  }
0xd0: {  	v52 =	vld [tilespmem:s17+$0x19000];
	v8 =	vmul.f32 v9, v11;
	v9 =	vadd.f32 v53, v51;
	v6 =	vmul.f32 v6, v17  }
0xd1: {  	v60 =	vld [tilespmem:s17+$0x19010];
	v5 =	vmul.f32 v5, v14;
	v1 =	vadd.f32 v15, v1  }
0xd2: {  	v61 =	vld [tilespmem:s17+$0x19020];
	v4 =	vmul.f32 v9, v4;
	v7 =	vmul.f32 v12, v7;
	v2 =	vadd.f32 v6, v2  }
0xd3: {  	v5 =	vadd.f32 v5, v8;
	v8 =	vld [tilespmem:$0x1FD50];
	(xrf2) =	vadd.scan.msk.f32 $0xffff, v1  }
0xd4: {  	(xrf2) =	vadd.scan.msk.f32 $0xffff, v2;
	v2 =	vadd.f32 v4, v7;
	v4 =	vld [tilespmem:$0x1FD60]  }
0xd5: {  	v7 =	vld [tilespmem:$0x1FD70]  }
0xd6: {  	v9 =	vld [tilespmem:$0x1FD40]  }
0xd7: {  	(xrf2) =	vadd.scan.msk.f32 $0xffff, v5;
	v5 =	vld [tilespmem:$0x1FD80]  }
0xd8: {  	v8 =	vadd.f32 v57, v8;
	(xrf2) =	vadd.scan.msk.f32 $0xffff, v2;
	v2 =	vld [tilespmem:$0x1FD90]  }
0xd9: {  	v4 =	vadd.f32 v49, v4  }
0xda: {  	v56 =	vld [tilespmem:s17+$0x19030];
	v20 =	vmul.f32 v8, v46;
	v8 =	vadd.f32 v60, v30;
	v7 =	vadd.f32 v59, v7  }
0xdb: {  	[tilespmem:$0x1FF00] =	vst v0;
	v0 =	vld [tilespmem:s17+$0x19050];
	v9 =	vadd.f32 v55, v9;
	v55 =	vmul.f32 v4, v25  }
0xdc: {  	[tilespmem:$0x1FF20] =	vst v62;
	v62 =	vmul.f32 v7, v25;
	v25 =	vmul.f32 v8, v22;
	v8 =	vld [tilespmem:$0x1FDB0]  }
0xdd: {  	v5 =	vadd.f32 v52, v5;
	v2 =	vadd.f32 v61, v2;
	_ =	sdelay $0x1  }
0xde: {  	v60 =	vmul.f32 v5, v22;
	v5 =	vadd.f32 v56, v31;
	v2 =	vmul.f32 v2, v43  }
0xdf: {  	v63 =	vld [tilespmem:s17+$0x19040]  }
0xe0: {  	[tilespmem:$0x1FDF0] =	vst v2;
	v2 =	vld [tilespmem:$0x1FDA0];
	v8 =	vadd.f32 v0, v8;
	v0 =	vmul.f32 v5, v43  }
0xe1: {  	v13 =	vld [tilespmem:s17+$0x19060]  }
0xe2: {  	[tilespmem:$0x1FE00] =	vst v0;
	v0 =	vld [tilespmem:$0x1FDC0];
	_ =	sdelay $0x2  }
0xe3: {  	v2 =	vadd.f32 v63, v2  }
0xe4: {  	v11 =	vld [tilespmem:s17+$0x19070]  }
0xe5: {  	v5 =	vadd.f32 v13, v0;
	v0 =	vmul.f32 v2, v44  }
0xe6: {  	[tilespmem:$0x1FF10] =	vst v3;
	v3 =	vld [tilespmem:s16+$0x19000]  }
0xe7: {  	[tilespmem:$0x1FE10] =	vst v0;
	v0 =	vmul.f32 v8, v44  }
0xe8: {  	v6 =	vld [tilespmem:s16+$0x19010]  }
0xe9: {  	v11 =	vadd.f32 v11, v36;
	[tilespmem:$0x1FE20] =	vst v0;
	v0 =	vmul.f32 v5, v45  }
0xea: {  	s2 =	sor.u32 $0x4, s14  }
0xeb: {  	v42 =	vmov s2;
	v2 =	vadd.f32 v3, v27;
	[tilespmem:$0x1FE30] =	vst v0;
	v0 =	vmul.f32 v11, v45;
	_ =	sdelay $0x1  }
0xec: {  	v5 =	vadd.f32 v6, v24;
	[tilespmem:$0x1FE50] =	vst v0;
	v0 =	vmul.f32 v2, v50;
	_ =	sdelay $0x1  }
0xed: {  	v1 =	vld [tilespmem:s16+$0x19020];
	[tilespmem:$0x1FE60] =	vst v0;
	v0 =	vmul.f32 v5, v50  }
0xee: {  	v7 =	vld.idx.msk [tilespmem:v42+s24+$0x0], $0xffff  }
0xef: {  	[tilespmem:$0x1FE90] =	vst v0;
	v0 =	vld [tilespmem:$0x1FF90];
	_ =	sdelay $0x2  }
0xf0: {  	v1 =	vadd.f32 v1, v37;
	_ =	sdelay $0x1  }
0xf1: {  	v14 =	vmul.f32 v7, v0;
	v0 =	vmul.f32 v1, v47  }
0xf2: {  	v4 =	vld.idx.msk [tilespmem:v42+s23+$0x0], $0xffff  }
0xf3: {  	[tilespmem:$0x1FEA0] =	vst v0;
	v0 =	vld [tilespmem:$0x1FF80]  }
0xf4: {  	v8, _, _ =	vpop (xrf2)  }
0xf5: {  	(v2sf) =	vpush v8, $0xF;
	v8, _, _ =	vpop (xrf2)  }
0xf6: {  	v12 =	vld [tilespmem:s16+$0x19030];
	(v2sf) =	vpush v8, $0xF;
	v8, _, _ =	vpop (xrf2)  }
0xf7: {  	(v2sf) =	vpush v8, $0xF;
	v8, _, _ =	vpop (xrf2)  }
0xf8: {  	(v2sf) =	vpush v8, $0xF;
	v8 =	vmul.f32 v4, v0;
	v0 =	vld [tilespmem:$0x1FFC0];
	_ =	sdelay $0x2  }
0xf9: {  	v2 =	vadd.f32 v12, v38;
	v12 =	vmul.f32 v4, v26;
	_ =	sdelay $0x1  }
0xfa: {  	v22 =	vadd.f32 v14, v12;
	v12 =	vmul.f32 v7, v0;
	v0 =	vld [tilespmem:$0x1FFA0];
	_ =	sdelay $0x4  }
0xfb: {  	v59 =	vmul.f32 v4, v0;
	v0 =	vld [tilespmem:$0x1FFE0];
	_ =	sdelay $0x4  }
0xfc: {  	v17 =	vmul.f32 v7, v0;
	v0 =	vld [tilespmem:$0x1FFB0];
	_ =	sdelay $0x1  }
0xfd: {  	s2 =	sshll.u32 s2, $0x7  }
0xfe: {  	v10 =	vld [tilespmem:s2+$0x14000]  }
0xff: {  	v16 =	vld [tilespmem:s2+$0x14030]  }
0x100: {  	v61 =	vadd.f32 v12, v8;
	v8 =	vmul.f32 v4, v0;
	v0 =	vld [tilespmem:$0x1FFF0]  }
0x101: {  	v18 =	vmul.f32 v19, v48;
	v19 =	vmul.f32 v9, v46;
	v9 =	vld [tilespmem:s16+$0x19040]  }
0x102: {  	v13 =	vld [tilespmem:s2+$0x16800]  }
0x103: {  	v3 =	vld [tilespmem:s2+$0x14010]  }
0x104: {  	v27 =	vld [tilespmem:s2+$0x16830]  }
0x105: {  	s4 =	sor.u32 $0x5, s14;
	v6 =	vld [tilespmem:s2+$0x16810];
	v49 =	vmul.f32 v4, v0;
	v0 =	vmul.f32 v2, v47  }
0x106: {  	v11 =	vld [tilespmem:s2+$0x14020];
	v45 =	vmov s4  }
0x107: {  	[tilespmem:$0x1FEB0] =	vst v0;
	v0 =	vld [tilespmem:$0x1FFD0]  }
0x108: {  	v5 =	vadd.f32 v9, v39;
	v9 =	vld [tilespmem:s2+$0x16820]  }
0x109: {  	v56 =	vmul.f32 v4, v28;
	v57 =	vmul.f32 v7, v58;
	v1 =	vld [tilespmem:s2+$0x14040];
	v2 =	vadd.f32 v22, v13  }
0x10a: {  	v14 =	vld [tilespmem:s2+$0x16840];
	v12 =	vmul.f32 v7, v33  }
0x10b: {  	v37 =	vadd.f32 v57, v56;
	v31 =	vadd.f32 v17, v59;
	v2 =	vmul.f32 v2, v10;
	v10 =	vld.idx.msk [tilespmem:v45+s24+$0x0], $0xffff  }
0x10c: {  	v59 =	vadd.f32 v12, v8;
	v8 =	vmul.f32 v4, v29;
	v4 =	vmul.f32 v4, v0;
	v0 =	vld [tilespmem:$0x1FF90]  }
0x10d: {  	v52 =	vld [tilespmem:s2+$0x16860];
	v6 =	vadd.f32 v6, v37;
	v12 =	vmul.f32 v7, v32  }
0x10e: {  	v50 =	vmul.f32 v7, v35;
	v9 =	vadd.f32 v9, v61  }
0x10f: {  	v3 =	vmul.f32 v6, v3;
	v15 =	vadd.f32 v12, v8;
	v8 =	vld.idx.msk [tilespmem:v45+s23+$0x0], $0xffff;
	v12 =	vadd.f32 v14, v59  }
0x110: {  	v9 =	vmul.f32 v9, v11;
	v6 =	vadd.f32 v27, v31;
	v7 =	vmul.f32 v7, v54  }
0x111: {  	v1 =	vmul.f32 v12, v1;
	v12 =	vmul.f32 v10, v0;
	v0 =	vld [tilespmem:$0x1FF80]  }
0x112: {  	[tilespmem:$0x1FF50] =	vst v15;
	v56 =	vadd.f32 v52, v15;
	v15 =	vadd.f32 v7, v4;
	v4 =	vmul.f32 v6, v16;
	_ =	sdelay $0x1  }
0x113: {  	v4 =	vadd.f32 v4, v9;
	v9 =	vmul.f32 v8, v26;
	_ =	sdelay $0x1  }
0x114: {  	v38 =	vadd.f32 v12, v9;
	v9 =	vmul.f32 v8, v0;
	v0 =	vld [tilespmem:$0x1FFC0];
	_ =	sdelay $0x2  }
0x115: {  	v21 =	vmul.f32 v23, v48;
	v48 =	vld [tilespmem:s2+$0x16850]  }
0x116: {  	v43 =	vld [tilespmem:s2+$0x14050]  }
0x117: {  	v12 =	vmul.f32 v10, v0;
	v0 =	vld [tilespmem:$0x1FFA0]  }
0x118: {  	v53 =	vadd.f32 v50, v49  }
0x119: {  	s1 =	sshll.u32 s4, $0x7;
	[tilespmem:$0x1FF30] =	vst v51;
	v51 =	vld [tilespmem:s2+$0x14060]  }
0x11a: {  	v30 =	vld [tilespmem:s1+$0x16830];
	v11 =	vadd.f32 v48, v53  }
0x11b: {  	v57 =	vld [tilespmem:s1+$0x16810]  }
0x11c: {  	v7 =	vmul.f32 v11, v43;
	v52 =	vmul.f32 v8, v0;
	v0 =	vld [tilespmem:$0x1FFE0]  }
0x11d: {  	v2 =	vadd.f32 v3, v2;
	v6 =	vld [tilespmem:s1+$0x16800]  }
0x11e: {  	v17 =	vld [tilespmem:s1+$0x16820];
	v63 =	vmul.f32 v10, v58;
	v1 =	vadd.f32 v7, v1;
	v7 =	vmul.f32 v8, v28  }
0x11f: {  	v3 =	vld [tilespmem:s1+$0x14010];
	(xrf2) =	vadd.scan.msk.f32 $0xffff, v2  }
0x120: {  	v11 =	vmul.f32 v56, v51;
	v56 =	vld [tilespmem:s1+$0x14020];
	v39 =	vadd.f32 v63, v7  }
0x121: {  	v14 =	vld [tilespmem:s2+$0x16870];
	[tilespmem:$0x1FF40] =	vst v53;
	v36 =	vadd.f32 v12, v9;
	v53 =	vmul.f32 v10, v0  }
0x122: {  	v23 =	vmul.f32 v5, v41;
	(xrf2) =	vadd.scan.msk.f32 $0xffff, v4;
	v4 =	vld [tilespmem:s1+$0x14030];
	v5 =	vadd.f32 v38, v6;
	v6 =	vadd.f32 v57, v39  }
0x123: {  	v24 =	vld [tilespmem:s1+$0x14000];
	s5 =	spop (v2sf);
	v7 =	vadd.f32 v17, v36;
	v0 =	vadd.f32 v53, v52  }
0x124: {  	s4 =	smul.f32 $1.767766920e-01, s5;
	v13 =	vld [tilespmem:s2+$0x14070]  }
0x125: {  	v3 =	vmul.f32 v6, v3;
	v6 =	vmul.f32 v7, v56;
	[tilespmem:$0x1FF70] =	vst v0;
	v9 =	vadd.f32 v30, v0;
	v0 =	vld [tilespmem:$0x1FFB0]  }
0x126: {  	v2 =	vmov s4;
	(xrf2) =	vadd.scan.msk.f32 $0xffff, v1  }
0x127: {  	v2 =	vmul.f32 $1.442695020e+00, v2;
	v1 =	vadd.f32 v14, v15;
	v4 =	vmul.f32 v9, v4  }
0x128: {  	v46 =	vld [tilespmem:s16+$0x19050]  }
0x129: {  	v2 =	vbroadcast v2, $0x0;
	v1 =	vmul.f32 v1, v13;
	v4 =	vadd.f32 v4, v6;
	v6, _, _ =	vpop (xrf2)  }
0x12a: {  	s26 =	spop (v2sf);
	v5 =	vmul.f32 v5, v24;
	(v2sf) =	vpush v6, $0xF;
	v6 =	vmul.f32 v8, v0;
	v0 =	vld [tilespmem:$0x1FFF0]  }
0x12b: {  	s4 =	smul.f32 $1.767766920e-01, s26;
	s26 =	spop (v2sf);
	v1 =	vadd.f32 v1, v11  }
0x12c: {  	s26 =	smul.f32 $1.767766920e-01, s26;
	(erf) = vpow2.f32 v2;
	v3 =	vadd.f32 v3, v5  }
0x12d: {  	s29 =	sor.u32 $0x6, s14;
	v63 =	vmul.f32 v10, v32;
	(xrf2) =	vadd.scan.msk.f32 $0xffff, v1;
	v12 =	vadd.f32 v46, v40;
	v7 =	vmov s4  }
0x12e: {  	v2 =	vld [tilespmem:s1+$0x14050];
	(xrf2) =	vadd.scan.msk.f32 $0xffff, v3;
	v46 =	vmov s29;
	v5 =	vmul.f32 $1.442695020e+00, v7;
	v9 =	vmov s26  }
0x12f: {  	v7 =	vmul.f32 $1.442695020e+00, v9;
	(xrf2) =	vadd.scan.msk.f32 $0xffff, v4;
	v4, _, _ =	vpop (xrf2);
	v13 =	vmul.f32 v8, v0;
	v0 =	vld [tilespmem:$0x1FFD0]  }
0x130: {  	v57 =	vld [tilespmem:s1+$0x16860];
	v3 =	vbroadcast v5, $0x0;
	v9 =	vmul.f32 v10, v33;
	(v2sf) =	vpush v4, $0xF;
	v4, _, _ =	vpop (xrf2)  }
0x131: {  	v5 =	vbroadcast v7, $0x0;
	v7 =	vld [tilespmem:s1+$0x16850];
	(v2sf) =	vpush v4, $0xF;
	v4 =	vmul.f32 v8, v29  }
0x132: {  	v14 =	vmul.f32 v10, v35;
	v24 =	vmul.f32 v12, v41;
	v12 =	vld [tilespmem:s1+$0x14060]  }
0x133: {  	v43 =	vadd.f32 v9, v6;
	v41 =	vadd.f32 v63, v4;
	v4 =	vld.idx.msk [tilespmem:v46+s24+$0x0], $0xffff  }
0x134: {  	v44 =	vadd.f32 v14, v13;
	v6 =	vmul.f32 v8, v0;
	v8 =	vmul.f32 v10, v54;
	v0 =	vld [tilespmem:$0x1FF90]  }
0x135: {  	v17 =	vld [tilespmem:s1+$0x16870]  }
0x136: {  	v1 =	vld [tilespmem:s1+$0x16840];
	v40 =	vadd.f32 v8, v6;
	v6 =	vadd.f32 v7, v44  }
0x137: {  	v9 =	vld [tilespmem:s1+$0x14070];
	v7 =	vadd.f32 v57, v41  }
0x138: {  	(erf) = vpow2.f32 v3;
	v3 =	vld.idx.msk [tilespmem:v46+s23+$0x0], $0xffff;
	v2 =	vmul.f32 v6, v2  }
0x139: {  	v6 =	vmul.f32 v7, v12;
	v12 =	vmul.f32 v4, v0;
	v0 =	vld [tilespmem:$0x1FF80]  }
0x13a: {  	v11 =	vld [tilespmem:s1+$0x14040];
	v10 =	vadd.f32 v17, v40  }
0x13b: {  	[tilespmem:s15+$0x1B870] =	vst v62;
	v62 =	vld [tilespmem:$0x1FDF0];
	s4 =	sshll.u32 s29, $0x7  }
0x13c: {  	v16 =	vld [tilespmem:s4+$0x14040];
	v9 =	vmul.f32 v10, v9  }
0x13d: {  	[tilespmem:$0x1FF60] =	vst v15;
	v15 =	vld [tilespmem:s4+$0x16840];
	v1 =	vadd.f32 v1, v43  }
0x13e: {  	v6 =	vadd.f32 v9, v6;
	v9 =	vmul.f32 v3, v0;
	v0 =	vld [tilespmem:$0x1FFC0]  }
0x13f: {  	s5 =	spop (v2sf);
	v30 =	vld [tilespmem:s4+$0x16820];
	v1 =	vmul.f32 v1, v11  }
0x140: {  	s26 =	smul.f32 $1.767766920e-01, s5;
	v11, _, _ =	vpop (xrf2);
	v13 =	vld [tilespmem:s4+$0x16800]  }
0x141: {  	(v2sf) =	vpush v11, $0xF;
	v11 =	vld [tilespmem:s4+$0x14010];
	v1 =	vadd.f32 v2, v1  }
0x142: {  	(erf) = vpow2.f32 v5;
	v5 =	vmov s26;
	v14 =	vld [tilespmem:s4+$0x14020]  }
0x143: {  	v5 =	vmul.f32 $1.442695020e+00, v5;
	v7, _, _ =	vpop (xrf2);
	(xrf2) =	vadd.scan.msk.f32 $0xffff, v1;
	v57 =	vmul.f32 v4, v0;
	v0 =	vld [tilespmem:$0x1FFA0]  }
0x144: {  	(v2sf) =	vpush v7, $0xF;
	v7, _, _ =	vpop (xrf2);
	(xrf2) =	vadd.scan.msk.f32 $0xffff, v6;
	v6 =	vld [tilespmem:$0x1FFF0]  }
0x145: {  	v5 =	vbroadcast v5, $0x0;
	v1 =	vld [tilespmem:$0x1FFB0]  }
0x146: {  	v63 =	vld [tilespmem:s4+$0x14030];
	(v2sf) =	vpush v7, $0xF;
	v7 =	vmul.f32 v3, v26  }
0x147: {  	(erf) = vpow2.f32 v5;
	v5 =	vld [tilespmem:s4+$0x16860];
	v27 =	vmul.f32 v4, v58  }
0x148: {  	v2 =	vmul.f32 v3, v28;
	v48 =	vadd.f32 v12, v7;
	v7 =	vmul.f32 v3, v0;
	v0 =	vld [tilespmem:$0x1FFE0]  }
0x149: {  	v8 =	vld [tilespmem:s4+$0x14000];
	v6 =	vmul.f32 v3, v6;
	v52 =	vadd.f32 v57, v9;
	v9 =	vmul.f32 v4, v35  }
0x14a: {  	v10 =	vld [tilespmem:s4+$0x16810];
	v50 =	vadd.f32 v27, v2;
	v2 =	vmul.f32 v4, v33;
	v1 =	vmul.f32 v3, v1  }
0x14b: {  	v53 =	vadd.f32 v9, v6;
	v6 =	vld [tilespmem:$0x1FFD0]  }
0x14c: {  	s26 =	sor.u32 $0x7, s14;
	v27 =	vld [tilespmem:s4+$0x16850];
	v51 =	vadd.f32 v2, v1  }
0x14d: {  	v2 =	vadd.f32 v48, v13;
	v13 =	vld [tilespmem:s4+$0x14050];
	v57 =	vmov s26;
	s26 =	sshll.u32 s26, $0x7;
	v12 =	vmul.f32 v4, v0  }
0x14e: {  	v47 =	vld [tilespmem:s26+$0x14000]  }
0x14f: {  	v9 =	vld [tilespmem:s4+$0x14060];
	v49 =	vadd.f32 v12, v7;
	v7 =	vmul.f32 v3, v29;
	v12 =	vmul.f32 v4, v32  }
0x150: {  	v3 =	vmul.f32 v3, v6;
	v6 =	vadd.f32 v10, v50;
	v10 =	vld [tilespmem:$0x1FDD0]  }
0x151: {  	v1 =	vadd.f32 v12, v7;
	v7 =	vld [tilespmem:s4+$0x16870]  }
0x152: {  	s5 =	spop (v2sf);
	v0 =	vld [tilespmem:s4+$0x16830];
	v4 =	vmul.f32 v4, v54  }
0x153: {  	[tilespmem:s15+$0x1B840] =	vst v19;
	s29 =	spop (v2sf);
	v2 =	vmul.f32 v2, v8;
	v8 =	vadd.f32 v30, v52;
	v12 =	vld [tilespmem:s4+$0x14070]  }
0x154: {  	s29 =	smul.f32 $1.767766920e-01, s29;
	v6 =	vmul.f32 v6, v11;
	v30 =	vadd.f32 v4, v3;
	v4 =	vld.idx.msk [tilespmem:v57+s23+$0x0], $0xffff;
	v5 =	vadd.f32 v5, v1  }
0x155: {  	v19 =	vld [tilespmem:s26+$0x16820];
	v11 =	vadd.f32 v27, v53;
	v3 =	vmul.f32 v8, v14;
	[tilespmem:s15+$0x1B800] =	vst v10;
	v10 =	vadd.f32 v15, v51  }
0x156: {  	[tilespmem:s15+$0x1B830] =	vst v21;
	v21 =	vld [tilespmem:s26+$0x14030];
	v14 =	vmov s29;
	v5 =	vmul.f32 v5, v9;
	v7 =	vadd.f32 v7, v30  }
0x157: {  	v0 =	vadd.f32 v0, v49;
	v9 =	vld [tilespmem:s26+$0x14010];
	v8 =	vmul.f32 v10, v16;
	v10 =	vmul.f32 v11, v13  }
0x158: {  	v14 =	vmul.f32 $1.442695020e+00, v14;
	v11 =	vld.idx.msk [tilespmem:v57+s24+$0x0], $0xffff;
	v7 =	vmul.f32 v7, v12  }
0x159: {  	v0 =	vmul.f32 v0, v63;
	v63 =	vmovc v28;
	v8 =	vadd.f32 v10, v8;
	v10 =	vmul.f32 v4, v28;
	v28 =	vld [tilespmem:$0x1FFC0]  }
0x15a: {  	v5 =	vadd.f32 v7, v5;
	v7 =	vld [tilespmem:$0x1FF80]  }
0x15b: {  	v15, _, _ =	vpop (xrf2);
	v12 =	vbroadcast v14, $0x0;
	v14 =	vld [tilespmem:$0x1FF90]  }
0x15c: {  	(v2sf) =	vpush v15, $0xF;
	v15, _, _ =	vpop (xrf2);
	v13 =	vld [tilespmem:$0x1FDE0]  }
0x15d: {  	[tilespmem:s15+$0x1B820] =	vst v18;
	v16 =	vld [tilespmem:s26+$0x16800];
	(v2sf) =	vpush v15, $0xF  }
0x15e: {  	[tilespmem:s15+$0x1B860] =	vst v55;
	v3 =	vadd.f32 v0, v3;
	v0 =	vmul.f32 v4, v26;
	v15 =	vld [tilespmem:s26+$0x14020];
	v18 =	vmul.f32 v11, v58  }
0x15f: {  	[tilespmem:s17+$0x1B800] =	vst v60;
	v56 =	vmov v26;
	s5 =	smul.f32 $1.767766920e-01, s5;
	v26 =	vld [tilespmem:$0x1FE20];
	v55 =	vmul.f32 v11, v28;
	v7 =	vmul.f32 v4, v7  }
0x160: {  	[tilespmem:s17+$0x1B820] =	vst v62;
	v14 =	vmul.f32 v11, v14;
	v60 =	vadd.f32 v18, v10;
	v10 =	vld [tilespmem:$0x1FFB0]  }
0x161: {  	[tilespmem:s15+$0x1B810] =	vst v13;
	v13 =	vmov s5;
	v62 =	vadd.f32 v55, v7;
	v7 =	vld [tilespmem:$0x1FFF0]  }
0x162: {  	v13 =	vmul.f32 $1.442695020e+00, v13;
	v27 =	vadd.f32 v14, v0;
	v0 =	vld [tilespmem:$0x1FFA0]  }
0x163: {  	v14 =	vld [tilespmem:$0x1FFE0]  }
0x164: {  	v2 =	vadd.f32 v6, v2;
	v17 =	vmul.f32 v11, v33;
	v28 =	vld [tilespmem:s26+$0x16830];
	v6 =	vbroadcast v13, $0x0  }
0x165: {  	[tilespmem:s15+$0x1B850] =	vst v20;
	v20 =	vmul.f32 v11, v35;
	v18 =	vld [tilespmem:s26+$0x16840];
	v10 =	vmul.f32 v4, v10  }
0x166: {  	(xrf2) =	vadd.scan.msk.f32 $0xffff, v2;
	v13 =	vld [tilespmem:s26+$0x16810];
	(erf) = vpow2.f32 v6;
	v2 =	vadd.f32 v27, v16;
	v7 =	vmul.f32 v4, v7  }
0x167: {  	(erf) = vpow2.f32 v12;
	v12 =	vld [tilespmem:$0x1FE10];
	v0 =	vmul.f32 v4, v0;
	v17 =	vadd.f32 v17, v10  }
0x168: {  	v14 =	vmul.f32 v11, v14;
	v10 =	vadd.f32 v19, v62;
	v16 =	vadd.f32 v20, v7;
	v7 =	vld [tilespmem:$0x1FE00]  }
0x169: {  	v55 =	vld [tilespmem:s26+$0x16850]  }
0x16a: {  	v0 =	vadd.f32 v14, v0;
	v10 =	vmul.f32 v10, v15;
	v15 =	vld [tilespmem:$0x1FE60]  }
0x16b: {  	(xrf2) =	vadd.scan.msk.f32 $0xffff, v3;
	v3 =	vld [tilespmem:s26+$0x14050]  }
0x16c: {  	(xrf2) =	vadd.scan.msk.f32 $0xffff, v8;
	v6 =	vld [tilespmem:s26+$0x14040];
	[tilespmem:s17+$0x1B840] =	vst v12;
	v12 =	vadd.f32 v28, v0  }
0x16d: {  	(xrf2) =	vadd.scan.msk.f32 $0xffff, v5;
	v5 =	vld [tilespmem:$0x1FFD0];
	[tilespmem:s17+$0x1B830] =	vst v7;
	v7 =	vadd.f32 v13, v60  }
0x16e: {  	[tilespmem:s17+$0x1B850] =	vst v26;
	v26 =	vld [tilespmem:$0x1FE30];
	v2 =	vmul.f32 v2, v47;
	v12 =	vmul.f32 v12, v21  }
0x16f: {  	v28 =	vadd.f32 v55, v16;
	[tilespmem:s16+$0x1B800] =	vst v15;
	v15 =	vld [tilespmem:$0x1FE80];
	v7 =	vmul.f32 v7, v9;
	v9 =	vadd.f32 v18, v17  }
0x170: {  	v14 =	vmul.f32 v11, v32;
	v8 =	vadd.f32 v12, v10;
	v10 =	vld [tilespmem:$0x1FE40];
	v13 =	vmul.f32 v4, v29  }
0x171: {  	s15 =	spop (v2sf);
	v3 =	vmul.f32 v28, v3;
	v6 =	vmul.f32 v9, v6;
	v2 =	vadd.f32 v7, v2;
	v7 =	vld [tilespmem:s26+$0x16870]  }
0x172: {  	s5 =	smul.f32 $1.767766920e-01, s15;
	s29 =	spop (v2sf);
	v4 =	vmul.f32 v4, v5;
	v5 =	vmul.f32 v11, v54;
	v55 =	vadd.f32 v14, v13;
	v13 =	vld [tilespmem:s26+$0x16860]  }
0x173: {  	s15 =	smul.f32 $1.767766920e-01, s29;
	v3 =	vadd.f32 v3, v6;
	v6 =	vld [tilespmem:s26+$0x14070]  }
0x174: {  	[tilespmem:s17+$0x1B860] =	vst v26;
	v47 =	vmov v29;
	v29 =	vld [tilespmem:s16+$0x19060];
	v26 =	vadd.f32 v5, v4  }
0x175: {  	v12 =	vmov s15;
	v4 =	vld [tilespmem:s16+$0x19070]  }
0x176: {  	v12 =	vmul.f32 $1.442695020e+00, v12;
	v9 =	vld [tilespmem:s26+$0x14060];
	(xrf2) =	vadd.scan.msk.f32 $0xffff, v2;
	v7 =	vadd.f32 v7, v26  }
0x177: {  	v10 =	vshll.u32 v10, $0x2;
	(xrf2) =	vadd.scan.msk.f32 $0xffff, v8;
	v8 =	vadd.f32 v13, v55;
	v13 =	vld [tilespmem:$0x1FE50]  }
0x178: {  	v2 =	vmov s5;
	v6 =	vmul.f32 v7, v6;
	v7 =	vbroadcast v12, $0x0;
	v12 =	vld [tilespmem:$0x1FE70]  }
0x179: {  	v5 =	vor.u32 $0x1, v10;
	v2 =	vmul.f32 $1.442695020e+00, v2  }
0x17a: {  	v11 =	vor.u32 $0x2, v10  }
0x17b: {  	[tilespmem:s17+$0x1B810] =	vst v25;
	v14 =	vor.u32 $0x3, v10;
	v8 =	vmul.f32 v8, v9;
	v2 =	vbroadcast v2, $0x0;
	v9 =	vpop (erf)  }
0x17c: {  	(xrf2) =	vadd.scan.msk.f32 $0xffff, v3;
	v3, _, _ =	vpop (xrf2);
	[tilespmem:s17+$0x1B870] =	vst v13;
	s17 =	spop (v2sf)  }
0x17d: {  	v4 =	vadd.f32 v4, v15;
	v15 =	vld [tilespmem:$0x1FEA0];
	[tilespmem:v10+s31+$0x0] =	vst.idx.msk $0x1, v9;
	v10 =	vpop (erf);
	(erf) = vpow2.f32 v2;
	s5 =	smul.f32 $1.767766920e-01, s17;
	s29 =	spop (v2sf);
	v12 =	vadd.f32 v29, v12  }
0x17e: {  	[tilespmem:v5+s31+$0x0] =	vst.idx.msk $0x1, v10;
	v5 =	vpop (erf);
	(v2sf) =	vpush v3, $0xF;
	v3 =	vadd.f32 v6, v8;
	v8 =	vshll.u32 v42, $0x2;
	s15 =	smul.f32 $1.767766920e-01, s29;
	s17 =	spop (v2sf)  }
0x17f: {  	[tilespmem:v11+s31+$0x0] =	vst.idx.msk $0x1, v5;
	v2 =	vpop (erf);
	(erf) = vpow2.f32 v7;
	s29 =	spop (v2sf);
	v7 =	vmul.f32 v12, v34;
	v12 =	vld [tilespmem:$0x1FE90]  }
0x180: {  	v13, _, _ =	vpop (xrf2);
	[tilespmem:v14+s31+$0x0] =	vst.idx.msk $0x1, v2;
	v14 =	vmov s15;
	s15 =	smul.f32 $1.767766920e-01, s29  }
0x181: {  	[tilespmem:s16+$0x1B840] =	vst v23;
	v4 =	vmul.f32 v4, v34;
	(v2sf) =	vpush v13, $0xF;
	v42 =	vld [tilespmem:$0x1FEC0];
	v14 =	vmul.f32 $1.442695020e+00, v14  }
0x182: {  	[tilespmem:s16+$0x1B820] =	vst v15;
	v13 =	vor.u32 $0x1, v8;
	v18 =	vor.u32 $0x2, v8;
	v23 =	vpop (erf);
	v15 =	vld [tilespmem:s18+$0x19010];
	v34 =	vmov s15  }
0x183: {  	v19 =	vor.u32 $0x3, v8;
	[tilespmem:v8+s31+$0x0] =	vst.idx.msk $0x1, v23;
	v8 =	vbroadcast v14, $0x0;
	v14 =	vmul.f32 $1.442695020e+00, v34;
	v34 =	vld [tilespmem:$0x1FED0]  }
0x184: {  	v11 =	vmov s5;
	[tilespmem:s16+$0x1B810] =	vst v12;
	v12 =	vld [tilespmem:s18+$0x19000]  }
0x185: {  	v6, _, _ =	vpop (xrf2);
	v11 =	vmul.f32 $1.442695020e+00, v11  }
0x186: {  	v28 =	vld [tilespmem:$0x1FEB0];
	(v2sf) =	vpush v6, $0xF;
	v6, _, _ =	vpop (xrf2)  }
0x187: {  	s5 =	smul.f32 $1.767766920e-01, s17;
	v21 =	vld [tilespmem:s18+$0x19020];
	(xrf2) =	vadd.scan.msk.f32 $0xffff, v3;
	v3, _, _ =	vpop (xrf2);
	(v2sf) =	vpush v6, $0xF;
	v11 =	vbroadcast v11, $0x0  }
0x188: {  	(v2sf) =	vpush v3, $0xF;
	v3 =	vld [tilespmem:s18+$0x19030];
	v15 =	vadd.f32 v15, v34  }
0x189: {  	v29 =	vmov s5;
	(erf) = vpow2.f32 v11;
	v11 =	vld [tilespmem:s18+$0x19050];
	v12 =	vadd.f32 v12, v42  }
0x18a: {  	v25 =	vmul.f32 $1.442695020e+00, v29;
	[tilespmem:s16+$0x1B860] =	vst v7;
	v7 =	vmul.f32 v15, v9;
	v15 =	vld [tilespmem:$0x1FEF0]  }
0x18b: {  	[tilespmem:s16+$0x1B830] =	vst v28;
	v12 =	vmul.f32 v12, v9;
	v9 =	vld [tilespmem:$0x1FEE0]  }
0x18c: {  	v28 =	vpop (erf);
	[tilespmem:s18+$0x1B810] =	vst v7;
	v7 =	vld [tilespmem:$0x1FF10]  }
0x18d: {  	[tilespmem:s16+$0x1B870] =	vst v4;
	v6, _, _ =	vpop (xrf2)  }
0x18e: {  	[tilespmem:v13+s31+$0x0] =	vst.idx.msk $0x1, v28;
	v13 =	vbroadcast v25, $0x0;
	v25 =	vpop (erf)  }
0x18f: {  	v4 =	vld [tilespmem:$0x1FF00];
	(v2sf) =	vpush v6, $0xF;
	(erf) = vpow2.f32 v8;
	[tilespmem:v18+s31+$0x0] =	vst.idx.msk $0x1, v25;
	v8 =	vpop (erf)  }
0x190: {  	v6 =	vld [tilespmem:s18+$0x19040];
	[tilespmem:v19+s31+$0x0] =	vst.idx.msk $0x1, v8;
	v3 =	vadd.f32 v3, v15;
	v9 =	vadd.f32 v21, v9  }
0x191: {  	v14 =	vbroadcast v14, $0x0;
	(erf) = vpow2.f32 v13;
	v7 =	vadd.f32 v11, v7;
	v11 =	vld [tilespmem:s2+$0x19030]  }
0x192: {  	v3 =	vmul.f32 v3, v10;
	v9 =	vmul.f32 v9, v10;
	v10 =	vld [tilespmem:s2+$0x19020]  }
0x193: {  	(erf) = vpow2.f32 v14;
	v14 =	vld [tilespmem:s2+$0x19000];
	_ =	sdelay $0x1  }
0x194: {  	v20, _, _ =	vpop (xrf2);
	v18 =	vld [tilespmem:s18+$0x19060];
	v4 =	vadd.f32 v6, v4  }
0x195: {  	(v2sf) =	vpush v20, $0xF;
	v6 =	vshll.u32 v45, $0x2;
	v15 =	vld [tilespmem:s2+$0x19010];
	[tilespmem:s18+$0x1B800] =	vst v12  }
0x196: {  	v4 =	vmul.f32 v4, v5;
	v11 =	vadd.f32 v11, v31;
	[tilespmem:s18+$0x1B820] =	vst v9;
	v9 =	vld [tilespmem:$0x1FF20];
	v10 =	vadd.f32 v10, v61  }
0x197: {  	v12 =	vor.u32 $0x1, v6;
	[tilespmem:s18+$0x1B830] =	vst v3;
	v3 =	vmul.f32 v7, v5;
	v5 =	vadd.f32 v14, v22;
	v14 =	vld [tilespmem:s2+$0x19050]  }
0x198: {  	v45 =	vor.u32 $0x2, v6;
	[tilespmem:s18+$0x1B840] =	vst v4;
	v4 =	vmul.f32 v10, v28;
	v10 =	vmul.f32 v11, v28;
	v11 =	vld [tilespmem:$0x1FF40]  }
0x199: {  	[tilespmem:s16+$0x1B850] =	vst v24;
	v24 =	vld [tilespmem:$0x1FF30];
	v42, _, _ =	vpop (xrf2)  }
0x19a: {  	v13 =	vld [tilespmem:s18+$0x19070];
	s15 =	spop (v2sf);
	(v2sf) =	vpush v42, $0xF;
	v7 =	vadd.f32 v15, v37;
	v15 =	vpop (erf)  }
0x19b: {  	v29 =	vld [tilespmem:s2+$0x19040];
	v34 =	vor.u32 $0x3, v6;
	s5 =	smul.f32 $1.767766920e-01, s15;
	[tilespmem:v6+s31+$0x0] =	vst.idx.msk $0x1, v15;
	v6 =	vpop (erf);
	v9 =	vadd.f32 v18, v9  }
0x19c: {  	v42 =	vld [tilespmem:s2+$0x19060];
	v5 =	vmul.f32 v5, v23;
	[tilespmem:v12+s31+$0x0] =	vst.idx.msk $0x1, v6;
	v12 =	vpop (erf)  }
0x19d: {  	s16 =	spop (v2sf);
	v37 =	vmov s5;
	v31 =	vld [tilespmem:s2+$0x19070];
	[tilespmem:v45+s31+$0x0] =	vst.idx.msk $0x1, v12;
	v9 =	vmul.f32 v9, v2;
	v11 =	vadd.f32 v14, v11  }
0x19e: {  	s15 =	smul.f32 $1.767766920e-01, s16;
	s17 =	spop (v2sf);
	v45 =	vmul.f32 $1.442695020e+00, v37;
	[tilespmem:s2+$0x1B800] =	vst v5;
	v5 =	vld [tilespmem:$0x1FF60]  }
0x19f: {  	s16 =	smul.f32 $1.767766920e-01, s17;
	v19 =	vpop (erf);
	[tilespmem:s18+$0x1B860] =	vst v9;
	v9 =	vmul.f32 v11, v25;
	v11 =	vld [tilespmem:$0x1FF50]  }
0x1a0: {  	s29 =	spop (v2sf);
	[tilespmem:v34+s31+$0x0] =	vst.idx.msk $0x1, v19;
	v34 =	vbroadcast v45, $0x0  }
0x1a1: {  	v13 =	vadd.f32 v13, v24;
	v24 =	vmov s16;
	s5 =	smul.f32 $1.767766920e-01, s29;
	v7 =	vmul.f32 v7, v23  }
0x1a2: {  	v45 =	vmul.f32 $1.442695020e+00, v24;
	(erf) = vpow2.f32 v34  }
0x1a3: {  	s16 =	spop (v2sf);
	v18 =	vadd.f32 v29, v59;
	v59 =	vmov s5;
	v5 =	vadd.f32 v31, v5;
	v14 =	vld [tilespmem:s1+$0x19000]  }
0x1a4: {  	s17 =	smul.f32 $1.767766920e-01, s16;
	s29 =	spop (v2sf);
	[tilespmem:s18+$0x1B850] =	vst v3;
	v2 =	vmul.f32 v13, v2;
	v13 =	vmov s15;
	v11 =	vadd.f32 v42, v11;
	v42 =	vld [tilespmem:s1+$0x19020]  }
0x1a5: {  	s16 =	smul.f32 $1.767766920e-01, s29;
	[tilespmem:s2+$0x1B810] =	vst v7;
	v21 =	vmul.f32 $1.442695020e+00, v59;
	v13 =	vmul.f32 $1.442695020e+00, v13  }
0x1a6: {  	v61 =	vmov s17;
	v3 =	vmul.f32 v18, v25;
	[tilespmem:s2+$0x1B820] =	vst v4;
	v5 =	vmul.f32 v5, v8  }
0x1a7: {  	s17 =	spop (v2sf);
	v4 =	vbroadcast v21, $0x0;
	[tilespmem:s18+$0x1B870] =	vst v2;
	v2 =	vmov s16;
	v13 =	vbroadcast v13, $0x0  }
0x1a8: {  	s5 =	smul.f32 $1.767766920e-01, s17;
	v2 =	vmul.f32 $1.442695020e+00, v2;
	[tilespmem:s2+$0x1B850] =	vst v9;
	v9 =	vmul.f32 $1.442695020e+00, v61  }
0x1a9: {  	v37 =	vld [tilespmem:s1+$0x19010];
	s18 =	spop (v2sf);
	[tilespmem:s2+$0x1B840] =	vst v3;
	v7 =	vadd.f32 v14, v38;
	v14 =	vbroadcast v45, $0x0;
	v3 =	vadd.f32 v42, v36  }
0x1aa: {  	(erf) = vpow2.f32 v13;
	v13 =	vmov s5;
	s5 =	smul.f32 $1.767766920e-01, s18;
	v9 =	vbroadcast v9, $0x0  }
0x1ab: {  	(erf) = vpow2.f32 v14;
	v3 =	vmul.f32 v3, v6  }
0x1ac: {  	(erf) = vpow2.f32 v4;
	v4 =	vmov s5;
	v11 =	vmul.f32 v11, v8  }
0x1ad: {  	[tilespmem:s2+$0x1B830] =	vst v10;
	v2 =	vbroadcast v2, $0x0;
	v4 =	vmul.f32 $1.442695020e+00, v4  }
0x1ae: {  	v10 =	vld [tilespmem:s1+$0x19030];
	v7 =	vmul.f32 v7, v15;
	v8 =	vadd.f32 v37, v39;
	(erf) = vpow2.f32 v9;
	[tilespmem:s2+$0x1B860] =	vst v11  }
0x1af: {  	v11 =	vshll.u32 v46, $0x2;
	[tilespmem:s1+$0x1B820] =	vst v3;
	v3 =	vpop (erf);
	(erf) = vpow2.f32 v2;
	v2 =	vbroadcast v4, $0x0;
	v4 =	vld [tilespmem:$0x1FF70]  }
0x1b0: {  	[tilespmem:s2+$0x1B870] =	vst v5;
	v5 =	vld [tilespmem:s1+$0x19040];
	v13 =	vmul.f32 $1.442695020e+00, v13;
	v8 =	vmul.f32 v8, v15;
	v14 =	vor.u32 $0x1, v11  }
0x1b1: {  	[tilespmem:s1+$0x1B800] =	vst v7;
	v7 =	vld [tilespmem:s1+$0x19050];
	v15 =	vor.u32 $0x2, v11  }
0x1b2: {  	v13 =	vbroadcast v13, $0x0;
	v9 =	vor.u32 $0x3, v11;
	[tilespmem:s1+$0x1B810] =	vst v8;
	v8 =	vld [tilespmem:s1+$0x19060];
	_ =	sdelay $0x1  }
0x1b3: {  	[tilespmem:v11+s31+$0x0] =	vst.idx.msk $0x1, v3;
	v4 =	vadd.f32 v10, v4;
	v10 =	vpop (erf);
	(erf) = vpow2.f32 v13  }
0x1b4: {  	v5 =	vadd.f32 v5, v43;
	[tilespmem:v14+s31+$0x0] =	vst.idx.msk $0x1, v10;
	v11 =	vpop (erf);
	(erf) = vpow2.f32 v2  }
0x1b5: {  	v2 =	vpop (erf);
	v4 =	vmul.f32 v4, v6;
	v6 =	vadd.f32 v7, v44;
	[tilespmem:v15+s31+$0x0] =	vst.idx.msk $0x1, v11  }
0x1b6: {  	v5 =	vmul.f32 v5, v12;
	v7 =	vadd.f32 v8, v41;
	v8 =	vld [tilespmem:s1+$0x19070];
	[tilespmem:v9+s31+$0x0] =	vst.idx.msk $0x1, v2;
	v9 =	vshll.u32 v57, $0x2  }
0x1b7: {  	[tilespmem:s1+$0x1B830] =	vst v4;
	v4 =	vmul.f32 v6, v12;
	v6 =	vld [tilespmem:s4+$0x19000];
	v12 =	vor.u32 $0x1, v9  }
0x1b8: {  	[tilespmem:s1+$0x1B840] =	vst v5;
	v5 =	vmul.f32 v7, v19;
	v7 =	vld [tilespmem:s4+$0x19010];
	v13 =	vor.u32 $0x2, v9  }
0x1b9: {  	v14 =	vor.u32 $0x3, v9;
	[tilespmem:s1+$0x1B850] =	vst v4;
	v4 =	vld [tilespmem:s4+$0x19020]  }
0x1ba: {  	v15 =	vpop (erf);
	[tilespmem:s1+$0x1B860] =	vst v5;
	v5 =	vld [tilespmem:s4+$0x19030]  }
0x1bb: {  	v57 =	vpop (erf);
	v59 =	vld [tilespmem:s4+$0x19040];
	v8 =	vadd.f32 v8, v40;
	[tilespmem:v9+s31+$0x0] =	vst.idx.msk $0x1, v15  }
0x1bc: {  	v9 =	vpop (erf);
	v6 =	vadd.f32 v6, v48;
	[tilespmem:v12+s31+$0x0] =	vst.idx.msk $0x1, v57;
	v12 =	vld [tilespmem:s4+$0x19050]  }
0x1bd: {  	v61 =	vld [tilespmem:s4+$0x19060];
	v8 =	vmul.f32 v8, v19;
	v7 =	vadd.f32 v7, v50;
	[tilespmem:v13+s31+$0x0] =	vst.idx.msk $0x1, v9;
	v13 =	vpop (erf)  }
0x1be: {  	v4 =	vadd.f32 v4, v52;
	v6 =	vmul.f32 v6, v3;
	[tilespmem:v14+s31+$0x0] =	vst.idx.msk $0x1, v13;
	v14 =	vld [tilespmem:s4+$0x19070]  }
0x1bf: {  	[tilespmem:s1+$0x1B870] =	vst v8;
	v3 =	vmul.f32 v7, v3;
	v5 =	vadd.f32 v5, v49;
	v7 =	vld [tilespmem:s26+$0x19000]  }
0x1c0: {  	v8 =	vld [tilespmem:s26+$0x19010];
	[tilespmem:s4+$0x1B800] =	vst v6;
	v4 =	vmul.f32 v4, v10;
	v6 =	vadd.f32 v59, v51  }
0x1c1: {  	[tilespmem:s4+$0x1B810] =	vst v3;
	v3 =	vmul.f32 v5, v10;
	v10 =	vld [tilespmem:s26+$0x19020];
	v5 =	vadd.f32 v12, v53  }
0x1c2: {  	v1 =	vadd.f32 v61, v1;
	[tilespmem:s4+$0x1B820] =	vst v4;
	v4 =	vmul.f32 v6, v11;
	v6 =	vld [tilespmem:s26+$0x19030]  }
0x1c3: {  	[tilespmem:s4+$0x1B830] =	vst v3;
	v3 =	vmul.f32 v5, v11;
	v5 =	vadd.f32 v14, v30;
	v11 =	vld [tilespmem:s26+$0x19040]  }
0x1c4: {  	v1 =	vmul.f32 v1, v2;
	[tilespmem:s4+$0x1B840] =	vst v4;
	v4 =	vadd.f32 v7, v27;
	v7 =	vld [tilespmem:s26+$0x19050]  }
0x1c5: {  	[tilespmem:s4+$0x1B850] =	vst v3;
	v2 =	vmul.f32 v5, v2;
	v3 =	vadd.f32 v8, v60;
	v5 =	vld [tilespmem:s26+$0x19060]  }
0x1c6: {  	[tilespmem:s4+$0x1B860] =	vst v1;
	v8 =	vld [tilespmem:s26+$0x19070];
	v1 =	vmul.f32 v4, v15;
	v4 =	vadd.f32 v10, v62  }
0x1c7: {  	[tilespmem:s4+$0x1B870] =	vst v2;
	v2 =	vmul.f32 v3, v15;
	v0 =	vadd.f32 v6, v0  }
0x1c8: {  	v6 =	vld [tilespmem:$0x1FF90];
	[tilespmem:s26+$0x1B800] =	vst v1;
	v1 =	vmul.f32 v4, v57;
	v3 =	vadd.f32 v11, v17  }
0x1c9: {  	v4 =	vld [tilespmem:$0x1FFF0];
	[tilespmem:s26+$0x1B810] =	vst v2;
	v0 =	vmul.f32 v0, v57;
	v2 =	vadd.f32 v7, v16  }
0x1ca: {  	p0 =	slt.u32 s14, $0x48;
	[tilespmem:s26+$0x1B820] =	vst v1;
	v1 =	vmul.f32 v3, v9;
	v3 =	vadd.f32 v5, v55;
	v5 =	vld [tilespmem:$0x1FFD0]  }
.Ltmp0:
0x1cb: {  	[tilespmem:s26+$0x1B830] =	vst v0;
	v0 =	vmul.f32 v2, v9;
	v9 =	vld [tilespmem:$0x1FFE0];
	v2 =	vadd.f32 v8, v26;
	(pc) =	sbr.rel @p0 .LBB2_3-.Ltmp0, $4  }
0x1cc: {  	v8 =	vld [tilespmem:$0x1FFC0];
	[tilespmem:s26+$0x1B840] =	vst v1;
	v1 =	vmul.f32 v3, v13  }
0x1cd: {  	v3 =	vld [tilespmem:$0x1FFB0];
	[tilespmem:s26+$0x1B850] =	vst v0;
	v0 =	vmul.f32 v2, v13  }
0x1ce: {  	s29 =	sadd.s32 $0x8, s14;
	v2 =	vld [tilespmem:$0x1FFA0];
	[tilespmem:s26+$0x1B860] =	vst v1  }
0x1cf: {  	s14 =	smov.u32 s29;
	v12 =	vmovc v32;
	v10 =	vmovc v33;
	v11 =	vmov v35;
	v7 =	vmov v58;
	v13 =	vmov v54;
	v1 =	vld [tilespmem:$0x1FF80];
	[tilespmem:s26+$0x1B870] =	vst v0  }
0x1d0: {  	s1 =	rddreg [dreg:$0x3]  }
0x1d1: {  	[spmem:s1] =	stream.indirect.scatter.add.f32 [tilespmem:s0], [sflag:$0x2], $0x80, s22, s25, $0xb8;
	[tilespmem:$0x1E480] =	vst v63  }
0x1d2: {  	s29 =	sshrl.u32 s20, $0x1;
	s3 =	sadd.s32 $0x1, s3;
	_ =	swait.ge [sflag:s19], $0x2800  }
0x1d3: {  	s2 =	simm.s32 $0x0;
	p0 =	sne.s32 s3, $0x7D;
	[sflag:s19] =	ssyncset.done $0x0  }
.Ltmp1:
0x1d4: {  	s1 =	sadd.s32 s12, s29;
	[sflag:s19] =	ssyncadd.s32 $0xFFFFD800;
	(pc) =	sbr.rel @p0 .LBB2_2-.Ltmp1, $4  }
0x1d5: {  	[hbm4b:s1+s2] =	stream.linear.scatter [tilespmem:s31], [sflag:$0x2], $0x140, $0x38;
	[tilespmem:$0x1E480] =	vst v63  }
0x1d6: {  	_ =	swait.ge [sflag:s19], $0x140  }
0x1d7: {  	[sflag:s19] =	ssyncset.done $0x0  }
0x1d8: {  	[sflag:s19] =	ssyncadd.s32 $0xFFFFFEC0  }
0x1d9: {  	[bflag:$0x0] =	sbarrier.arrive $0xFFFF  }
0x1da: {  	s2 =	rddreg [dreg:$0x6]  }
0x1db: {  	s1 =	rddreg [dreg:$0x7]  }
0x1dc: {  	s3 =	rddreg [dreg:$0x9]  }
0x1dd: {  	[hbm:s1], [sflag:s2] =	dma.local [spmem:s3], $0x2800  }
0x1de: {  	_ =	swait.ge [sflag:s19], $0x2800  }
0x1df: {  	s4 =	rddreg [dreg:$0xa]  }
0x1e0: {  	s29 =	rddreg [dreg:$0x8];
	s4 =	sadd.s32 $0x1, s4  }
0x1e1: {  	p0 =	sne.s32 s4, s29  }
.Ltmp2:
0x1e2: {  	_ = 	snop;
	(pc) =	sbr.rel @p0 .LBB2_1-.Ltmp2, $3  }
0x1e3: {  	_ =	sdelay $0x1  }
0x1e4: {  	[sflag:s19] =	ssyncset.done $0x0  }
0x1e5: {  	[sflag:s19] =	ssyncadd.s32 $0xFFFFD800  }
0x1e6: {  	_ =	sfence.sel $0x180000  }
0x1e7: {  	[bflag:$0x0] =	sbarrier.arrive $0xFFFF  }
0x1e8: {  	_ =	strace $0x90000047  }
0x1e9: {  	s0 =	stileid.u32;
	[bflag:$0x2] =	sbarrier.arrive $0xFFFF  }
0x1ea: {  	p0 =	sne.s32 s0, $0x0;
	s0 =	rddreg [dreg:$0x4]  }
0x1eb: {  	s0 =	sadd.s32 @!p0 $0x100000, s0  }
0x1ec: {  	[sflag:s0] =	ssyncadd.tile.s32 @!p0 $0x1;
	_ =	shalt  }
.Lfunc_end2:
_tile_overlayer_lowered:
.L_overlay_start_2:
0x1ed: {  	(tag) =	ssettag $0x2  }
0x1ee: {  	s0 =	rddreg [dreg:$0x0];
	s2 =	stileid.u32  }
0x1ef: {  	s1 =	rddreg [dreg:$0x1];
	p0 =	sne.s32 s2, $0x0  }
0x1f0: {  	s3 =	rddreg [dreg:$0x2];
	[bflag:$0x3] =	sbarrier.arrive $0xFFFF;
	s2 =	simm.s32 @!p0 $0x1C02  }
0x1f1: {  	[timem:s3], [sflag:s2] =	dma.local @!p0 [hbm:s0], s1  }
0x1f2: {  	s0 =	simm.s32 @!p0 $0x2  }
0x1f3: {  	_ =	swait.ge @!p0 [sflag:s0], s1  }
0x1f4: {  	s1 =	ssub.s32 @!p0 $0x0, s1;
	[sflag:s0] =	ssyncset.done @!p0 $0x0  }
0x1f5: {  	[sflag:s0] =	ssyncadd.s32 @!p0 s1  }
0x1f6: {  	[bflag:$0x3] =	sbarrier.arrive $0xFFFF  }
0x1f7: {  	_ =	shalt  }

</sc_bundles>
